<compile_context>
chip_gen: v7x
topology: tpu7x:2x2x1
jax: 0.10.2.dev20260603
libtpu: 0.0.44.dev20260713+nightly
codegen_flags: <defaults>
</compile_context>

<pallas_src>
import jax
import jax.numpy as jnp
from jax.experimental import pallas as pl
from jax.experimental.pallas import tpu as pltpu

_BT1 = 32
_BT2 = 32
bf16 = jnp.bfloat16


def _conv1_body(x1_r, w1_r, b1_r, y1_r):
    bt = x1_r.shape[0]
    f32 = jnp.float32
    R1 = bt * 384
    x1f = x1_r[...].reshape(R1, 128)
    M = R1 - 24
    m16 = M + 16
    accA = jnp.dot(x1f[0:m16], w1_r[...], preferred_element_type=f32)
    xcB = jnp.concatenate([x1f[0:m16, 64:128], x1f[1:m16 + 1, 0:64]],
                          axis=1)
    accB = jnp.dot(xcB, w1_r[...], preferred_element_type=f32)
    b1 = b1_r[...]
    y1_r[0:M, 0:32] = jnp.maximum(
        accA[0:M, 0:32] + accA[16:M + 16, 32:64] + b1, 0.0).astype(bf16)
    y1_r[0:M, 32:64] = jnp.maximum(
        accB[0:M, 0:32] + accB[16:M + 16, 32:64] + b1, 0.0).astype(bf16)


def _conv23_body(y1_r, w2_r, b2_r, w3_r, b3_r, y3_r, x2_s, y2_s, y3_s):
    bt = y1_r.shape[0]
    f32 = jnp.float32
    R2 = bt * 192
    y1q = y1_r[...]
    for a in range(2):
        va = y1q[:, 0:20].reshape(bt, 10, 2, 16, 64)[:, :, a]
        x2_s[:, 0:10, :, 64 * a:64 * a + 64] = va
    x2f = x2_s[...].reshape(R2, 128)
    M2 = R2 - 32
    m2b = M2 + 16
    xc2 = jnp.concatenate([x2f[0:m2b], x2f[1:m2b + 1]], axis=1)
    acc2 = jnp.dot(xc2, w2_r[...], preferred_element_type=f32)
    y2 = jnp.maximum(
        acc2[0:M2, 0:64] + acc2[16:M2 + 16, 64:128] + b2_r[...], 0.0)
    y2_s[0:M2, :] = y2.astype(bf16)

    y2f = y2_s[...]
    M3 = R2 - 48
    m3b = M3 + 32
    xc3 = jnp.concatenate([y2f[0:m3b], y2f[1:m3b + 1], y2f[2:m3b + 2]],
                          axis=1)
    acc3 = jnp.dot(xc3, w3_r[...], preferred_element_type=f32)
    y3 = jnp.maximum(acc3[0:M3, 0:64] + acc3[16:M3 + 16, 64:128]
                     + acc3[32:M3 + 32, 128:192] + b3_r[...], 0.0)
    y3_s[0:M3, :] = y3.astype(bf16)
    y3_r[...] = y3_s[...].reshape(bt, 12, 16, 64)[:, 0:7, 0:8, :]


def _head_body(y3_r, hid_r, fcw_r, fcb_r, wih_r, whh_r, bih_r, bhh_r,
               rw_r, rb_r, ew1_r, eb1_r, ew2_r, eb2_r, sel_r,
               q_r, p_r, h_r):
    f32 = jnp.float32
    hid = hid_r[...]

    feats = jnp.dot(y3_r[...], fcw_r[...], preferred_element_type=f32)
    feats = jnp.maximum(feats + fcb_r[...], 0.0)
    featsb = feats.astype(bf16)

    gi = jnp.dot(featsb, wih_r[...], preferred_element_type=f32) + bih_r[...]
    gh = jnp.dot(hid.astype(bf16), whh_r[...],
                 preferred_element_type=f32) + bhh_r[...]
    r = jax.nn.sigmoid(gi[:, 0:128] + gh[:, 0:128])
    z = jax.nn.sigmoid(gi[:, 128:256] + gh[:, 128:256])
    n = jnp.tanh(gi[:, 256:384] + r * gh[:, 256:384])
    h_new = (1.0 - z) * n + z * hid

    logits = jnp.dot(h_new, rw_r[...], preferred_element_type=f32) + rb_r[...]
    m = jnp.max(logits, axis=-1, keepdims=True)
    e = jnp.exp(logits - m)
    p = e / jnp.sum(e, axis=-1, keepdims=True)

    h1 = jnp.dot(featsb, ew1_r[...], preferred_element_type=f32) + eb1_r[...]
    h1 = jnp.maximum(h1, 0.0)
    pe = jnp.dot(p, sel_r[...], preferred_element_type=f32)
    q = jnp.dot((h1 * pe).astype(bf16), ew2_r[...],
                preferred_element_type=f32)
    q = q + jnp.dot(p, eb2_r[...], preferred_element_type=f32)

    q_r[...] = q
    p_r[...] = p
    h_r[...] = h_new


def kernel(obs, hidden, conv1_w, conv1_b, conv2_w, conv2_b, conv3_w,
           conv3_b, fc_w, fc_b, gru_w_ih, gru_w_hh, gru_b_ih, gru_b_hh,
           rout_w, rout_b, exp_w1, exp_b1, exp_w2, exp_b2):
    B = obs.shape[0]
    assert B % _BT1 == 0 and B % _BT2 == 0

    xt = obs.astype(bf16).reshape(B, 4, 21, 4, 21, 4)
    xt = xt.transpose(0, 2, 4, 3, 1, 5).reshape(B, 21, 21, 64)
    x1 = jnp.zeros((B, 24, 16, 128), bf16)
    x1 = x1.at[:, 0:21, 0:10, :].set(xt[:, :, 0:20].reshape(B, 21, 10, 128))
    x1 = x1.at[:, 0:21, 10, 0:64].set(xt[:, :, 20])
    x1 = x1.reshape(B, 384, 128)
    w1 = conv1_w.reshape(32, 4, 2, 4, 2, 4).transpose(4, 3, 1, 5, 2, 0)
    w1 = w1.reshape(128, 64).astype(bf16)
    w2 = conv2_w.reshape(64, 32, 2, 2, 2, 2).transpose(4, 3, 5, 1, 2, 0)
    w2 = w2.reshape(256, 128).astype(bf16)
    w3 = conv3_w.transpose(3, 1, 2, 0).reshape(192, 192).astype(bf16)
    fcw = fc_w.reshape(64, 7, 7, 512).transpose(1, 2, 0, 3)
    fcw = jnp.pad(fcw, ((0, 0), (0, 1), (0, 0), (0, 0)))
    fcw = fcw.reshape(3584, 512).astype(bf16)
    ew1 = exp_w1.transpose(1, 0, 2).reshape(512, 2048).astype(bf16)
    eb1 = exp_b1.reshape(1, 2048)
    ew2 = exp_w2.reshape(2048, 18).astype(bf16)
    sel = jnp.repeat(jnp.eye(8, dtype=jnp.float32), 256, axis=1)

    wspec2 = lambda a, b: pl.BlockSpec((a, b), lambda i: (0, 0))

    y1 = pl.pallas_call(
        _conv1_body,
        grid=(B // _BT1,),
        in_specs=[
            pl.BlockSpec((_BT1, 384, 128), lambda i: (i, 0, 0)),
            wspec2(128, 64),
            wspec2(1, 32),
        ],
        out_specs=pl.BlockSpec((_BT1 * 384, 64), lambda i: (i, 0)),
        out_shape=jax.ShapeDtypeStruct((B * 384, 64), bf16),
        compiler_params=pltpu.CompilerParams(
            vmem_limit_bytes=60 * 1024 * 1024),
    )(x1, w1, conv1_b.reshape(1, 32))

    y1g = y1.reshape(B, 24, 16, 64)

    y3 = pl.pallas_call(
        _conv23_body,
        grid=(B // _BT2,),
        in_specs=[
            pl.BlockSpec((_BT2, 24, 16, 64), lambda i: (i, 0, 0, 0)),
            wspec2(256, 128),
            wspec2(1, 64),
            wspec2(192, 192),
            wspec2(1, 64),
        ],
        out_specs=pl.BlockSpec((_BT2, 7, 8, 64), lambda i: (i, 0, 0, 0)),
        out_shape=jax.ShapeDtypeStruct((B, 7, 8, 64), bf16),
        scratch_shapes=[pltpu.VMEM((_BT2, 12, 16, 128), bf16),
                        pltpu.VMEM((_BT2 * 192, 64), bf16),
                        pltpu.VMEM((_BT2 * 192, 64), bf16)],
        compiler_params=pltpu.CompilerParams(
            vmem_limit_bytes=60 * 1024 * 1024),
    )(y1g, w2, conv2_b.reshape(1, 64), w3, conv3_b.reshape(1, 64))

    y3q = y3.reshape(B, 3584)

    q, p, h = pl.pallas_call(
        _head_body,
        grid=(1,),
        in_specs=[
            pl.BlockSpec((B, 3584), lambda i: (0, 0)),
            pl.BlockSpec((B, 128), lambda i: (0, 0)),
            wspec2(3584, 512),
            wspec2(1, 512),
            wspec2(512, 384),
            wspec2(128, 384),
            wspec2(1, 384),
            wspec2(1, 384),
            wspec2(128, 8),
            wspec2(1, 8),
            wspec2(512, 2048),
            wspec2(1, 2048),
            wspec2(2048, 18),
            wspec2(8, 18),
            wspec2(8, 2048),
        ],
        out_specs=(
            pl.BlockSpec((B, 18), lambda i: (0, 0)),
            pl.BlockSpec((B, 8), lambda i: (0, 0)),
            pl.BlockSpec((B, 128), lambda i: (0, 0)),
        ),
        out_shape=(
            jax.ShapeDtypeStruct((B, 18), jnp.float32),
            jax.ShapeDtypeStruct((B, 8), jnp.float32),
            jax.ShapeDtypeStruct((B, 128), jnp.float32),
        ),
        compiler_params=pltpu.CompilerParams(
            vmem_limit_bytes=60 * 1024 * 1024),
    )(y3q, hidden, fcw, fc_b.reshape(1, 512), gru_w_ih.astype(bf16),
      gru_w_hh.astype(bf16), gru_b_ih.reshape(1, 384),
      gru_b_hh.reshape(1, 384), rout_w, rout_b.reshape(1, 8), ew1, eb1,
      ew2, exp_b2, sel)
    return (q, p, h)

# --- scband reference (transcript-rebuilt; emitter-appended) ---
"""Pipeline reference for scband-mo-edqn-51170240365280 (READ-ONLY COPY).

The authoritative reference and input builder live on the scoring server;
editing this copy changes nothing except your own understanding.
"""

import jax, jax.numpy as jnp
import numpy as np


def _conv(x, w, b, s):
    y = jax.lax.conv_general_dilated(x, w, (s, s), 'VALID', dimension_numbers=('NCHW', 'OIHW', 'NCHW'))
    return y + b[None, :, None, None]


def setup_inputs(seed: int = 0) -> dict:
    key = jax.random.key(seed)
    ks = jax.random.split(key, 16)
    B = 1024
    sc = 0.05
    d = {}
    d['obs'] = jax.random.uniform(ks[0], (B, 4, 84, 84), dtype=jnp.float32)
    d['hidden'] = jnp.zeros((B, 128), dtype=jnp.float32)
    d['conv1_w'] = jax.random.normal(ks[1], (32, 4, 8, 8), dtype=jnp.float32) * sc
    d['conv1_b'] = jnp.zeros((32,), dtype=jnp.float32)
    d['conv2_w'] = jax.random.normal(ks[2], (64, 32, 4, 4), dtype=jnp.float32) * sc
    d['conv2_b'] = jnp.zeros((64,), dtype=jnp.float32)
    d['conv3_w'] = jax.random.normal(ks[3], (64, 64, 3, 3), dtype=jnp.float32) * sc
    d['conv3_b'] = jnp.zeros((64,), dtype=jnp.float32)
    d['fc_w'] = jax.random.normal(ks[4], (3136, 512), dtype=jnp.float32) * 0.02
    d['fc_b'] = jnp.zeros((512,), dtype=jnp.float32)
    d['gru_w_ih'] = jax.random.normal(ks[5], (512, 384), dtype=jnp.float32) * sc
    d['gru_w_hh'] = jax.random.normal(ks[6], (128, 384), dtype=jnp.float32) * sc
    d['gru_b_ih'] = jnp.zeros((384,), dtype=jnp.float32)
    d['gru_b_hh'] = jnp.zeros((384,), dtype=jnp.float32)
    d['rout_w'] = jax.random.normal(ks[7], (128, 8), dtype=jnp.float32) * sc
    d['rout_b'] = jnp.zeros((8,), dtype=jnp.float32)
    d['exp_w1'] = jax.random.normal(ks[8], (8, 512, 256), dtype=jnp.float32) * sc
    d['exp_b1'] = jnp.zeros((8, 256), dtype=jnp.float32)
    d['exp_w2'] = jax.random.normal(ks[9], (8, 256, 18), dtype=jnp.float32) * sc
    d['exp_b2'] = jnp.zeros((8, 18), dtype=jnp.float32)
    return d


def reference(obs, hidden, conv1_w, conv1_b, conv2_w, conv2_b, conv3_w, conv3_b, fc_w, fc_b, gru_w_ih, gru_w_hh, gru_b_ih, gru_b_hh, rout_w, rout_b, exp_w1, exp_b1, exp_w2, exp_b2):
    # ConvEncoder (obs already float in [0,1), mirrors uint8/255 normalization)
    x = jax.nn.relu(_conv(obs, conv1_w, conv1_b, 4))   # (B,32,20,20)
    x = jax.nn.relu(_conv(x, conv2_w, conv2_b, 2))     # (B,64,9,9)
    x = jax.nn.relu(_conv(x, conv3_w, conv3_b, 1))     # (B,64,7,7)
    feats = jax.nn.relu(x.reshape(x.shape[0], -1) @ fc_w + fc_b)  # (B,512)
    # RouterGRU: standard GRU cell + linear projection to expert logits
    gi = feats @ gru_w_ih + gru_b_ih
    gh = hidden @ gru_w_hh + gru_b_hh
    i_r, i_z, i_n = jnp.split(gi, 3, axis=-1)
    h_r, h_z, h_n = jnp.split(gh, 3, axis=-1)
    r = jax.nn.sigmoid(i_r + h_r)
    z = jax.nn.sigmoid(i_z + h_z)
    n = jnp.tanh(i_n + r * h_n)
    new_hidden = (1.0 - z) * n + z * hidden
    logits = new_hidden @ rout_w + rout_b
    temperature = 1.0
    gating_probs = jax.nn.softmax(logits / max(temperature, 1e-06), axis=-1)
    # Dense path (expert_store is None): compute all experts, gate-weighted sum
    h1 = jax.nn.relu(jnp.einsum('bf,efh->ebh', feats, exp_w1) + exp_b1[:, None, :])
    q_all = jnp.einsum('ebh,eha->eba', h1, exp_w2) + exp_b2[:, None, :]
    q_all = jnp.transpose(q_all, (1, 0, 2))  # (B,E,A)
    q_values = jnp.sum(gating_probs[:, :, None] * q_all, axis=1)
    return (q_values, gating_probs, new_hidden)

if __name__ == "__main__":
    import jax
    _d = setup_inputs()
    print(jax.jit(kernel)(*tuple(_d.values())))

</pallas_src>

<mosaic_0001>
module attributes {stable_mosaic.version = 14 : i64} {
  func.func @_conv1_body(%arg0: i32, %arg1: memref<32x384x128xbf16, #tpu.memory_space<vmem>>, %arg2: memref<128x64xbf16, #tpu.memory_space<vmem>>, %arg3: memref<1x32xf32, #tpu.memory_space<vmem>>, %arg4: memref<12288x64xbf16, #tpu.memory_space<vmem>>) attributes {dimension_semantics = [#tpu.dimension_semantics<arbitrary>], iteration_bounds = array<i64: 32>, scalar_prefetch = 0 : i64, scratch_operands = 0 : i64, tpu.core_type = #tpu.core_type<tc>, window_params = [{transform_indices = @transform_0, window_bounds = array<i64: 32, 384, 128>}, {pipeline_mode = #tpu.pipeline_mode<synchronous>, transform_indices = @transform_1, window_bounds = array<i64: 128, 64>}, {pipeline_mode = #tpu.pipeline_mode<synchronous>, transform_indices = @transform_2, window_bounds = array<i64: 1, 32>}, {transform_indices = @transform_3, window_bounds = array<i64: 12288, 64>}]} {
    %get3A = arith.constant 0 : index
    %get3A_0 = arith.constant 0 : index
    %get3A_1 = arith.constant 0 : index
    %get3A_2 = vector.load %arg1[%get3A, %get3A_0, %get3A_1] : memref<32x384x128xbf16, #tpu.memory_space<vmem>>, vector<32x384x128xbf16>
    %reshape3A = vector.shape_cast %get3A_2 : vector<32x384x128xbf16> to vector<12288x128xbf16>
    %slice3A = vector.extract_strided_slice %reshape3A {offsets = [0, 0], sizes = [12280, 128], strides = [1, 1]} : vector<12288x128xbf16> to vector<12280x128xbf16>
    %get3A_3 = arith.constant 0 : index
    %get3A_4 = arith.constant 0 : index
    %get3A_5 = vector.load %arg2[%get3A_3, %get3A_4] : memref<128x64xbf16, #tpu.memory_space<vmem>>, vector<128x64xbf16>
    %dot_general3A = arith.constant dense<0.000000e+00> : vector<12280x64xf32>
    %dot_general3A_6 = tpu.matmul %slice3A, %get3A_5, %dot_general3A {dimension_numbers = #tpu.dot_dimension_numbers<[1], [0], [0], [1], [0, 0, 1, 1], [], []>, transpose_lhs_hint = false} : vector<12280x128xbf16>, vector<128x64xbf16>, vector<12280x64xf32> -> vector<12280x64xf32>
    %slice3A_7 = vector.extract_strided_slice %reshape3A {offsets = [0, 64], sizes = [12280, 64], strides = [1, 1]} : vector<12288x128xbf16> to vector<12280x64xbf16>
    %slice3A_8 = vector.extract_strided_slice %reshape3A {offsets = [1, 0], sizes = [12280, 64], strides = [1, 1]} : vector<12288x128xbf16> to vector<12280x64xbf16>
    %concatenate3A = tpu.concatenate %slice3A_7, %slice3A_8 in 1 : vector<12280x64xbf16>, vector<12280x64xbf16> -> vector<12280x128xbf16>
    %get3A_9 = arith.constant 0 : index
    %get3A_10 = arith.constant 0 : index
    %get3A_11 = vector.load %arg2[%get3A_9, %get3A_10] : memref<128x64xbf16, #tpu.memory_space<vmem>>, vector<128x64xbf16>
    %dot_general3A_12 = arith.constant dense<0.000000e+00> : vector<12280x64xf32>
    %dot_general3A_13 = tpu.matmul %concatenate3A, %get3A_11, %dot_general3A_12 {dimension_numbers = #tpu.dot_dimension_numbers<[1], [0], [0], [1], [0, 0, 1, 1], [], []>, transpose_lhs_hint = false} : vector<12280x128xbf16>, vector<128x64xbf16>, vector<12280x64xf32> -> vector<12280x64xf32>
    %get3A_14 = arith.constant 0 : index
    %get3A_15 = arith.constant 0 : index
    %get3A_16 = vector.load %arg3[%get3A_14, %get3A_15] : memref<1x32xf32, #tpu.memory_space<vmem>>, vector<1x32xf32>
    %slice3A_17 = vector.extract_strided_slice %dot_general3A_6 {offsets = [0, 0], sizes = [12264, 32], strides = [1, 1]} : vector<12280x64xf32> to vector<12264x32xf32>
    %slice3A_18 = vector.extract_strided_slice %dot_general3A_6 {offsets = [16, 32], sizes = [12264, 32], strides = [1, 1]} : vector<12280x64xf32> to vector<12264x32xf32>
    %add3A = arith.addf %slice3A_17, %slice3A_18 : vector<12264x32xf32>
    %add3A_19 = vector.broadcast %get3A_16 : vector<1x32xf32> to vector<12264x32xf32>
    %add3A_20 = arith.addf %add3A, %add3A_19 : vector<12264x32xf32>
    %max3A = arith.constant 0.000000e+00 : f32
    %max3A_21 = vector.broadcast %max3A : f32 to vector<12264x32xf32>
    %max3A_22 = arith.maximumf %add3A_20, %max3A_21 : vector<12264x32xf32>
    %convert_element_type3A = arith.truncf %max3A_22 : vector<12264x32xf32> to vector<12264x32xbf16>
    %swap3A = arith.constant 0 : index
    %swap3A_23 = arith.constant 0 : index
    %swap3A_24 = vector.load %arg4[%swap3A, %swap3A_23] : memref<12288x64xbf16, #tpu.memory_space<vmem>>, vector<12264x32xbf16>
    tpu.vector_store %arg4[%swap3A, %swap3A_23], %convert_element_type3A {strides = array<i32>} : memref<12288x64xbf16, #tpu.memory_space<vmem>>, vector<12264x32xbf16>,
    %slice3A_25 = vector.extract_strided_slice %dot_general3A_13 {offsets = [0, 0], sizes = [12264, 32], strides = [1, 1]} : vector<12280x64xf32> to vector<12264x32xf32>
    %slice3A_26 = vector.extract_strided_slice %dot_general3A_13 {offsets = [16, 32], sizes = [12264, 32], strides = [1, 1]} : vector<12280x64xf32> to vector<12264x32xf32>
    %add3A_27 = arith.addf %slice3A_25, %slice3A_26 : vector<12264x32xf32>
    %add3A_28 = vector.broadcast %get3A_16 : vector<1x32xf32> to vector<12264x32xf32>
    %add3A_29 = arith.addf %add3A_27, %add3A_28 : vector<12264x32xf32>
    %max3A_30 = arith.constant 0.000000e+00 : f32
    %max3A_31 = vector.broadcast %max3A_30 : f32 to vector<12264x32xf32>
    %max3A_32 = arith.maximumf %add3A_29, %max3A_31 : vector<12264x32xf32>
    %convert_element_type3A_33 = arith.truncf %max3A_32 : vector<12264x32xf32> to vector<12264x32xbf16>
    %swap3A_34 = arith.constant 0 : index
    %swap3A_35 = arith.constant 32 : index
    %swap3A_36 = vector.load %arg4[%swap3A_34, %swap3A_35] : memref<12288x64xbf16, #tpu.memory_space<vmem>>, vector<12264x32xbf16>
    tpu.vector_store %arg4[%swap3A_34, %swap3A_35], %convert_element_type3A_33 {strides = array<i32>} : memref<12288x64xbf16, #tpu.memory_space<vmem>>, vector<12264x32xbf16>,
    return
  }
  func.func @transform_0(%arg0: i32) -> (i32, i32, i32) {
    %c0_i32 = arith.constant 0 : i32
    %c0_i32_0 = arith.constant 0 : i32
    %c0_i32_1 = arith.constant 0 : i32
    return %arg0, %c0_i32, %c0_i32_0 : i32, i32, i32
  }
  func.func @transform_1(%arg0: i32) -> (i32, i32) {
    %c0_i32 = arith.constant 0 : i32
    %c0_i32_0 = arith.constant 0 : i32
    %c0_i32_1 = arith.constant 0 : i32
    return %c0_i32, %c0_i32_0 : i32, i32
  }
  func.func @transform_2(%arg0: i32) -> (i32, i32) {
    %c0_i32 = arith.constant 0 : i32
    %c0_i32_0 = arith.constant 0 : i32
    %c0_i32_1 = arith.constant 0 : i32
    return %c0_i32, %c0_i32_0 : i32, i32
  }
  func.func @transform_3(%arg0: i32) -> (i32, i32) {
    %c0_i32 = arith.constant 0 : i32
    %c0_i32_0 = arith.constant 0 : i32
    return %arg0, %c0_i32 : i32, i32
  }
}

module attributes {stable_mosaic.version = 14 : i64} {
  func.func @_conv23_body(%arg0: i32, %arg1: memref<32x24x16x64xbf16, #tpu.memory_space<vmem>>, %arg2: memref<256x128xbf16, #tpu.memory_space<vmem>>, %arg3: memref<1x64xf32, #tpu.memory_space<vmem>>, %arg4: memref<192x192xbf16, #tpu.memory_space<vmem>>, %arg5: memref<1x64xf32, #tpu.memory_space<vmem>>, %arg6: memref<32x7x8x64xbf16, #tpu.memory_space<vmem>>, %arg7: memref<32x12x16x128xbf16, #tpu.memory_space<vmem>>, %arg8: memref<6144x64xbf16, #tpu.memory_space<vmem>>, %arg9: memref<6144x64xbf16, #tpu.memory_space<vmem>>) attributes {dimension_semantics = [#tpu.dimension_semantics<arbitrary>], iteration_bounds = array<i64: 32>, scalar_prefetch = 0 : i64, scratch_operands = 3 : i64, tpu.core_type = #tpu.core_type<tc>, window_params = [{transform_indices = @transform_0, window_bounds = array<i64: 32, 24, 16, 64>}, {pipeline_mode = #tpu.pipeline_mode<synchronous>, transform_indices = @transform_1, window_bounds = array<i64: 256, 128>}, {pipeline_mode = #tpu.pipeline_mode<synchronous>, transform_indices = @transform_2, window_bounds = array<i64: 1, 64>}, {pipeline_mode = #tpu.pipeline_mode<synchronous>, transform_indices = @transform_3, window_bounds = array<i64: 192, 192>}, {pipeline_mode = #tpu.pipeline_mode<synchronous>, transform_indices = @transform_4, window_bounds = array<i64: 1, 64>}, {transform_indices = @transform_5, window_bounds = array<i64: 32, 7, 8, 64>}]} {
    %get3A = arith.constant 0 : index
    %get3A_0 = arith.constant 0 : index
    %get3A_1 = arith.constant 0 : index
    %get3A_2 = arith.constant 0 : index
    %get3A_3 = vector.load %arg1[%get3A, %get3A_0, %get3A_1, %get3A_2] : memref<32x24x16x64xbf16, #tpu.memory_space<vmem>>, vector<32x24x16x64xbf16>
    %slice3A = vector.extract_strided_slice %get3A_3 {offsets = [0, 0, 0, 0], sizes = [32, 20, 16, 64], strides = [1, 1, 1, 1]} : vector<32x24x16x64xbf16> to vector<32x20x16x64xbf16>
    %reshape3A = vector.shape_cast %slice3A : vector<32x20x16x64xbf16> to vector<32x10x2x16x64xbf16>
    %slice3A_4 = vector.extract_strided_slice %reshape3A {offsets = [0, 0, 0, 0, 0], sizes = [32, 10, 1, 16, 64], strides = [1, 1, 1, 1, 1]} : vector<32x10x2x16x64xbf16> to vector<32x10x1x16x64xbf16>
    %squeeze3A = vector.shape_cast %slice3A_4 : vector<32x10x1x16x64xbf16> to vector<32x10x16x64xbf16>
    %swap3A = arith.constant 0 : index
    %swap3A_5 = arith.constant 0 : index
    %swap3A_6 = arith.constant 0 : index
    %swap3A_7 = arith.constant 0 : index
    %swap3A_8 = vector.load %arg7[%swap3A, %swap3A_5, %swap3A_6, %swap3A_7] : memref<32x12x16x128xbf16, #tpu.memory_space<vmem>>, vector<32x10x16x64xbf16>
    tpu.vector_store %arg7[%swap3A, %swap3A_5, %swap3A_6, %swap3A_7], %squeeze3A {strides = array<i32>} : memref<32x12x16x128xbf16, #tpu.memory_space<vmem>>, vector<32x10x16x64xbf16>,
    %slice3A_9 = vector.extract_strided_slice %get3A_3 {offsets = [0, 0, 0, 0], sizes = [32, 20, 16, 64], strides = [1, 1, 1, 1]} : vector<32x24x16x64xbf16> to vector<32x20x16x64xbf16>
    %reshape3A_10 = vector.shape_cast %slice3A_9 : vector<32x20x16x64xbf16> to vector<32x10x2x16x64xbf16>
    %slice3A_11 = vector.extract_strided_slice %reshape3A_10 {offsets = [0, 0, 1, 0, 0], sizes = [32, 10, 1, 16, 64], strides = [1, 1, 1, 1, 1]} : vector<32x10x2x16x64xbf16> to vector<32x10x1x16x64xbf16>
    %squeeze3A_12 = vector.shape_cast %slice3A_11 : vector<32x10x1x16x64xbf16> to vector<32x10x16x64xbf16>
    %swap3A_13 = arith.constant 0 : index
    %swap3A_14 = arith.constant 0 : index
    %swap3A_15 = arith.constant 0 : index
    %swap3A_16 = arith.constant 64 : index
    %swap3A_17 = vector.load %arg7[%swap3A_13, %swap3A_14, %swap3A_15, %swap3A_16] : memref<32x12x16x128xbf16, #tpu.memory_space<vmem>>, vector<32x10x16x64xbf16>
    tpu.vector_store %arg7[%swap3A_13, %swap3A_14, %swap3A_15, %swap3A_16], %squeeze3A_12 {strides = array<i32>} : memref<32x12x16x128xbf16, #tpu.memory_space<vmem>>, vector<32x10x16x64xbf16>,
    %get3A_18 = arith.constant 0 : index
    %get3A_19 = arith.constant 0 : index
    %get3A_20 = arith.constant 0 : index
    %get3A_21 = arith.constant 0 : index
    %get3A_22 = vector.load %arg7[%get3A_18, %get3A_19, %get3A_20, %get3A_21] : memref<32x12x16x128xbf16, #tpu.memory_space<vmem>>, vector<32x12x16x128xbf16>
    %reshape3A_23 = vector.shape_cast %get3A_22 : vector<32x12x16x128xbf16> to vector<6144x128xbf16>
    %slice3A_24 = vector.extract_strided_slice %reshape3A_23 {offsets = [0, 0], sizes = [6128, 128], strides = [1, 1]} : vector<6144x128xbf16> to vector<6128x128xbf16>
    %slice3A_25 = vector.extract_strided_slice %reshape3A_23 {offsets = [1, 0], sizes = [6128, 128], strides = [1, 1]} : vector<6144x128xbf16> to vector<6128x128xbf16>
    %concatenate3A = tpu.concatenate %slice3A_24, %slice3A_25 in 1 : vector<6128x128xbf16>, vector<6128x128xbf16> -> vector<6128x256xbf16>
    %get3A_26 = arith.constant 0 : index
    %get3A_27 = arith.constant 0 : index
    %get3A_28 = vector.load %arg2[%get3A_26, %get3A_27] : memref<256x128xbf16, #tpu.memory_space<vmem>>, vector<256x128xbf16>
    %dot_general3A = arith.constant dense<0.000000e+00> : vector<6128x128xf32>
    %dot_general3A_29 = tpu.matmul %concatenate3A, %get3A_28, %dot_general3A {dimension_numbers = #tpu.dot_dimension_numbers<[1], [0], [0], [1], [0, 0, 1, 1], [], []>, transpose_lhs_hint = false} : vector<6128x256xbf16>, vector<256x128xbf16>, vector<6128x128xf32> -> vector<6128x128xf32>
    %slice3A_30 = vector.extract_strided_slice %dot_general3A_29 {offsets = [0, 0], sizes = [6112, 64], strides = [1, 1]} : vector<6128x128xf32> to vector<6112x64xf32>
    %slice3A_31 = vector.extract_strided_slice %dot_general3A_29 {offsets = [16, 64], sizes = [6112, 64], strides = [1, 1]} : vector<6128x128xf32> to vector<6112x64xf32>
    %add3A = arith.addf %slice3A_30, %slice3A_31 : vector<6112x64xf32>
    %get3A_32 = arith.constant 0 : index
    %get3A_33 = arith.constant 0 : index
    %get3A_34 = vector.load %arg3[%get3A_32, %get3A_33] : memref<1x64xf32, #tpu.memory_space<vmem>>, vector<1x64xf32>
    %add3A_35 = vector.broadcast %get3A_34 : vector<1x64xf32> to vector<6112x64xf32>
    %add3A_36 = arith.addf %add3A, %add3A_35 : vector<6112x64xf32>
    %max3A = arith.constant 0.000000e+00 : f32
    %max3A_37 = vector.broadcast %max3A : f32 to vector<6112x64xf32>
    %max3A_38 = arith.maximumf %add3A_36, %max3A_37 : vector<6112x64xf32>
    %convert_element_type3A = arith.truncf %max3A_38 : vector<6112x64xf32> to vector<6112x64xbf16>
    %swap3A_39 = arith.constant 0 : index
    %swap3A_40 = arith.constant 0 : index
    %swap3A_41 = vector.load %arg8[%swap3A_39, %swap3A_40] : memref<6144x64xbf16, #tpu.memory_space<vmem>>, vector<6112x64xbf16>
    tpu.vector_store %arg8[%swap3A_39, %swap3A_40], %convert_element_type3A {strides = array<i32>} : memref<6144x64xbf16, #tpu.memory_space<vmem>>, vector<6112x64xbf16>,
    %get3A_42 = arith.constant 0 : index
    %get3A_43 = arith.constant 0 : index
    %get3A_44 = vector.load %arg8[%get3A_42, %get3A_43] : memref<6144x64xbf16, #tpu.memory_space<vmem>>, vector<6144x64xbf16>
    %slice3A_45 = vector.extract_strided_slice %get3A_44 {offsets = [0, 0], sizes = [6128, 64], strides = [1, 1]} : vector<6144x64xbf16> to vector<6128x64xbf16>
    %slice3A_46 = vector.extract_strided_slice %get3A_44 {offsets = [1, 0], sizes = [6128, 64], strides = [1, 1]} : vector<6144x64xbf16> to vector<6128x64xbf16>
    %slice3A_47 = vector.extract_strided_slice %get3A_44 {offsets = [2, 0], sizes = [6128, 64], strides = [1, 1]} : vector<6144x64xbf16> to vector<6128x64xbf16>
    %concatenate3A_48 = tpu.concatenate %slice3A_45, %slice3A_46, %slice3A_47 in 1 : vector<6128x64xbf16>, vector<6128x64xbf16>, vector<6128x64xbf16> -> vector<6128x192xbf16>
    %get3A_49 = arith.constant 0 : index
    %get3A_50 = arith.constant 0 : index
    %get3A_51 = vector.load %arg4[%get3A_49, %get3A_50] : memref<192x192xbf16, #tpu.memory_space<vmem>>, vector<192x192xbf16>
    %dot_general3A_52 = arith.constant dense<0.000000e+00> : vector<6128x192xf32>
    %dot_general3A_53 = tpu.matmul %concatenate3A_48, %get3A_51, %dot_general3A_52 {dimension_numbers = #tpu.dot_dimension_numbers<[1], [0], [0], [1], [0, 0, 1, 1], [], []>, transpose_lhs_hint = false} : vector<6128x192xbf16>, vector<192x192xbf16>, vector<6128x192xf32> -> vector<6128x192xf32>
    %slice3A_54 = vector.extract_strided_slice %dot_general3A_53 {offsets = [0, 0], sizes = [6096, 64], strides = [1, 1]} : vector<6128x192xf32> to vector<6096x64xf32>
    %slice3A_55 = vector.extract_strided_slice %dot_general3A_53 {offsets = [16, 64], sizes = [6096, 64], strides = [1, 1]} : vector<6128x192xf32> to vector<6096x64xf32>
    %add3A_56 = arith.addf %slice3A_54, %slice3A_55 : vector<6096x64xf32>
    %slice3A_57 = vector.extract_strided_slice %dot_general3A_53 {offsets = [32, 128], sizes = [6096, 64], strides = [1, 1]} : vector<6128x192xf32> to vector<6096x64xf32>
    %add3A_58 = arith.addf %add3A_56, %slice3A_57 : vector<6096x64xf32>
    %get3A_59 = arith.constant 0 : index
    %get3A_60 = arith.constant 0 : index
    %get3A_61 = vector.load %arg5[%get3A_59, %get3A_60] : memref<1x64xf32, #tpu.memory_space<vmem>>, vector<1x64xf32>
    %add3A_62 = vector.broadcast %get3A_61 : vector<1x64xf32> to vector<6096x64xf32>
    %add3A_63 = arith.addf %add3A_58, %add3A_62 : vector<6096x64xf32>
    %max3A_64 = arith.constant 0.000000e+00 : f32
    %max3A_65 = vector.broadcast %max3A_64 : f32 to vector<6096x64xf32>
    %max3A_66 = arith.maximumf %add3A_63, %max3A_65 : vector<6096x64xf32>
    %convert_element_type3A_67 = arith.truncf %max3A_66 : vector<6096x64xf32> to vector<6096x64xbf16>
    %swap3A_68 = arith.constant 0 : index
    %swap3A_69 = arith.constant 0 : index
    %swap3A_70 = vector.load %arg9[%swap3A_68, %swap3A_69] : memref<6144x64xbf16, #tpu.memory_space<vmem>>, vector<6096x64xbf16>
    tpu.vector_store %arg9[%swap3A_68, %swap3A_69], %convert_element_type3A_67 {strides = array<i32>} : memref<6144x64xbf16, #tpu.memory_space<vmem>>, vector<6096x64xbf16>,
    %get3A_71 = arith.constant 0 : index
    %get3A_72 = arith.constant 0 : index
    %get3A_73 = vector.load %arg9[%get3A_71, %get3A_72] : memref<6144x64xbf16, #tpu.memory_space<vmem>>, vector<6144x64xbf16>
    %reshape3A_74 = vector.shape_cast %get3A_73 : vector<6144x64xbf16> to vector<32x12x16x64xbf16>
    %slice3A_75 = vector.extract_strided_slice %reshape3A_74 {offsets = [0, 0, 0, 0], sizes = [32, 7, 8, 64], strides = [1, 1, 1, 1]} : vector<32x12x16x64xbf16> to vector<32x7x8x64xbf16>
    %swap3A_76 = arith.constant 0 : index
    %swap3A_77 = arith.constant 0 : index
    %swap3A_78 = arith.constant 0 : index
    %swap3A_79 = arith.constant 0 : index
    %swap3A_80 = vector.load %arg6[%swap3A_76, %swap3A_77, %swap3A_78, %swap3A_79] : memref<32x7x8x64xbf16, #tpu.memory_space<vmem>>, vector<32x7x8x64xbf16>
    tpu.vector_store %arg6[%swap3A_76, %swap3A_77, %swap3A_78, %swap3A_79], %slice3A_75 {strides = array<i32>} : memref<32x7x8x64xbf16, #tpu.memory_space<vmem>>, vector<32x7x8x64xbf16>,
    return
  }
  func.func @transform_0(%arg0: i32) -> (i32, i32, i32, i32) {
    %c0_i32 = arith.constant 0 : i32
    %c0_i32_0 = arith.constant 0 : i32
    %c0_i32_1 = arith.constant 0 : i32
    %c0_i32_2 = arith.constant 0 : i32
    return %arg0, %c0_i32, %c0_i32_0, %c0_i32_1 : i32, i32, i32, i32
  }
  func.func @transform_1(%arg0: i32) -> (i32, i32) {
    %c0_i32 = arith.constant 0 : i32
    %c0_i32_0 = arith.constant 0 : i32
    %c0_i32_1 = arith.constant 0 : i32
    return %c0_i32, %c0_i32_0 : i32, i32
  }
  func.func @transform_2(%arg0: i32) -> (i32, i32) {
    %c0_i32 = arith.constant 0 : i32
    %c0_i32_0 = arith.constant 0 : i32
    %c0_i32_1 = arith.constant 0 : i32
    return %c0_i32, %c0_i32_0 : i32, i32
  }
  func.func @transform_3(%arg0: i32) -> (i32, i32) {
    %c0_i32 = arith.constant 0 : i32
    %c0_i32_0 = arith.constant 0 : i32
    %c0_i32_1 = arith.constant 0 : i32
    return %c0_i32, %c0_i32_0 : i32, i32
  }
  func.func @transform_4(%arg0: i32) -> (i32, i32) {
    %c0_i32 = arith.constant 0 : i32
    %c0_i32_0 = arith.constant 0 : i32
    %c0_i32_1 = arith.constant 0 : i32
    return %c0_i32, %c0_i32_0 : i32, i32
  }
  func.func @transform_5(%arg0: i32) -> (i32, i32, i32, i32) {
    %c0_i32 = arith.constant 0 : i32
    %c0_i32_0 = arith.constant 0 : i32
    %c0_i32_1 = arith.constant 0 : i32
    %c0_i32_2 = arith.constant 0 : i32
    return %arg0, %c0_i32, %c0_i32_0, %c0_i32_1 : i32, i32, i32, i32
  }
}

module attributes {stable_mosaic.version = 14 : i64} {
  func.func @_head_body(%arg0: i32, %arg1: memref<1024x3584xbf16, #tpu.memory_space<vmem>>, %arg2: memref<1024x128xf32, #tpu.memory_space<vmem>>, %arg3: memref<3584x512xbf16, #tpu.memory_space<vmem>>, %arg4: memref<1x512xf32, #tpu.memory_space<vmem>>, %arg5: memref<512x384xbf16, #tpu.memory_space<vmem>>, %arg6: memref<128x384xbf16, #tpu.memory_space<vmem>>, %arg7: memref<1x384xf32, #tpu.memory_space<vmem>>, %arg8: memref<1x384xf32, #tpu.memory_space<vmem>>, %arg9: memref<128x8xf32, #tpu.memory_space<vmem>>, %arg10: memref<1x8xf32, #tpu.memory_space<vmem>>, %arg11: memref<512x2048xbf16, #tpu.memory_space<vmem>>, %arg12: memref<1x2048xf32, #tpu.memory_space<vmem>>, %arg13: memref<2048x18xbf16, #tpu.memory_space<vmem>>, %arg14: memref<8x18xf32, #tpu.memory_space<vmem>>, %arg15: memref<8x2048xf32, #tpu.memory_space<vmem>>, %arg16: memref<1024x18xf32, #tpu.memory_space<vmem>>, %arg17: memref<1024x8xf32, #tpu.memory_space<vmem>>, %arg18: memref<1024x128xf32, #tpu.memory_space<vmem>>) attributes {dimension_semantics = [#tpu.dimension_semantics<arbitrary>], iteration_bounds = array<i64: 1>, scalar_prefetch = 0 : i64, scratch_operands = 0 : i64, tpu.core_type = #tpu.core_type<tc>, window_params = [{pipeline_mode = #tpu.pipeline_mode<synchronous>, transform_indices = @transform_0, window_bounds = array<i64: 1024, 3584>}, {pipeline_mode = #tpu.pipeline_mode<synchronous>, transform_indices = @transform_1, window_bounds = array<i64: 1024, 128>}, {pipeline_mode = #tpu.pipeline_mode<synchronous>, transform_indices = @transform_2, window_bounds = array<i64: 3584, 512>}, {pipeline_mode = #tpu.pipeline_mode<synchronous>, transform_indices = @transform_3, window_bounds = array<i64: 1, 512>}, {pipeline_mode = #tpu.pipeline_mode<synchronous>, transform_indices = @transform_4, window_bounds = array<i64: 512, 384>}, {pipeline_mode = #tpu.pipeline_mode<synchronous>, transform_indices = @transform_5, window_bounds = array<i64: 128, 384>}, {pipeline_mode = #tpu.pipeline_mode<synchronous>, transform_indices = @transform_6, window_bounds = array<i64: 1, 384>}, {pipeline_mode = #tpu.pipeline_mode<synchronous>, transform_indices = @transform_7, window_bounds = array<i64: 1, 384>}, {pipeline_mode = #tpu.pipeline_mode<synchronous>, transform_indices = @transform_8, window_bounds = array<i64: 128, 8>}, {pipeline_mode = #tpu.pipeline_mode<synchronous>, transform_indices = @transform_9, window_bounds = array<i64: 1, 8>}, {pipeline_mode = #tpu.pipeline_mode<synchronous>, transform_indices = @transform_10, window_bounds = array<i64: 512, 2048>}, {pipeline_mode = #tpu.pipeline_mode<synchronous>, transform_indices = @transform_11, window_bounds = array<i64: 1, 2048>}, {pipeline_mode = #tpu.pipeline_mode<synchronous>, transform_indices = @transform_12, window_bounds = array<i64: 2048, 18>}, {pipeline_mode = #tpu.pipeline_mode<synchronous>, transform_indices = @transform_13, window_bounds = array<i64: 8, 18>}, {pipeline_mode = #tpu.pipeline_mode<synchronous>, transform_indices = @transform_14, window_bounds = array<i64: 8, 2048>}, {pipeline_mode = #tpu.pipeline_mode<synchronous>, transform_indices = @transform_15, window_bounds = array<i64: 1024, 18>}, {pipeline_mode = #tpu.pipeline_mode<synchronous>, transform_indices = @transform_16, window_bounds = array<i64: 1024, 8>}, {pipeline_mode = #tpu.pipeline_mode<synchronous>, transform_indices = @transform_17, window_bounds = array<i64: 1024, 128>}]} {
    %get3A = arith.constant 0 : index
    %get3A_0 = arith.constant 0 : index
    %get3A_1 = vector.load %arg2[%get3A, %get3A_0] : memref<1024x128xf32, #tpu.memory_space<vmem>>, vector<1024x128xf32>
    %get3A_2 = arith.constant 0 : index
    %get3A_3 = arith.constant 0 : index
    %get3A_4 = vector.load %arg1[%get3A_2, %get3A_3] : memref<1024x3584xbf16, #tpu.memory_space<vmem>>, vector<1024x3584xbf16>
    %get3A_5 = arith.constant 0 : index
    %get3A_6 = arith.constant 0 : index
    %get3A_7 = vector.load %arg3[%get3A_5, %get3A_6] : memref<3584x512xbf16, #tpu.memory_space<vmem>>, vector<3584x512xbf16>
    %dot_general3A = arith.constant dense<0.000000e+00> : vector<1024x512xf32>
    %dot_general3A_8 = tpu.matmul %get3A_4, %get3A_7, %dot_general3A {dimension_numbers = #tpu.dot_dimension_numbers<[1], [0], [0], [1], [0, 0, 1, 1], [], []>, transpose_lhs_hint = false} : vector<1024x3584xbf16>, vector<3584x512xbf16>, vector<1024x512xf32> -> vector<1024x512xf32>
    %get3A_9 = arith.constant 0 : index
    %get3A_10 = arith.constant 0 : index
    %get3A_11 = vector.load %arg4[%get3A_9, %get3A_10] : memref<1x512xf32, #tpu.memory_space<vmem>>, vector<1x512xf32>
    %add3A = vector.broadcast %get3A_11 : vector<1x512xf32> to vector<1024x512xf32>
    %add3A_12 = arith.addf %dot_general3A_8, %add3A : vector<1024x512xf32>
    %max3A = arith.constant 0.000000e+00 : f32
    %max3A_13 = vector.broadcast %max3A : f32 to vector<1024x512xf32>
    %max3A_14 = arith.maximumf %add3A_12, %max3A_13 : vector<1024x512xf32>
    %convert_element_type3A = arith.truncf %max3A_14 : vector<1024x512xf32> to vector<1024x512xbf16>
    %get3A_15 = arith.constant 0 : index
    %get3A_16 = arith.constant 0 : index
    %get3A_17 = vector.load %arg5[%get3A_15, %get3A_16] : memref<512x384xbf16, #tpu.memory_space<vmem>>, vector<512x384xbf16>
    %dot_general3A_18 = arith.constant dense<0.000000e+00> : vector<1024x384xf32>
    %dot_general3A_19 = tpu.matmul %convert_element_type3A, %get3A_17, %dot_general3A_18 {dimension_numbers = #tpu.dot_dimension_numbers<[1], [0], [0], [1], [0, 0, 1, 1], [], []>, transpose_lhs_hint = false} : vector<1024x512xbf16>, vector<512x384xbf16>, vector<1024x384xf32> -> vector<1024x384xf32>
    %get3A_20 = arith.constant 0 : index
    %get3A_21 = arith.constant 0 : index
    %get3A_22 = vector.load %arg7[%get3A_20, %get3A_21] : memref<1x384xf32, #tpu.memory_space<vmem>>, vector<1x384xf32>
    %add3A_23 = vector.broadcast %get3A_22 : vector<1x384xf32> to vector<1024x384xf32>
    %add3A_24 = arith.addf %dot_general3A_19, %add3A_23 : vector<1024x384xf32>
    %convert_element_type3A_25 = arith.truncf %get3A_1 : vector<1024x128xf32> to vector<1024x128xbf16>
    %get3A_26 = arith.constant 0 : index
    %get3A_27 = arith.constant 0 : index
    %get3A_28 = vector.load %arg6[%get3A_26, %get3A_27] : memref<128x384xbf16, #tpu.memory_space<vmem>>, vector<128x384xbf16>
    %dot_general3A_29 = arith.constant dense<0.000000e+00> : vector<1024x384xf32>
    %dot_general3A_30 = tpu.matmul %convert_element_type3A_25, %get3A_28, %dot_general3A_29 {dimension_numbers = #tpu.dot_dimension_numbers<[1], [0], [0], [1], [0, 0, 1, 1], [], []>, transpose_lhs_hint = false} : vector<1024x128xbf16>, vector<128x384xbf16>, vector<1024x384xf32> -> vector<1024x384xf32>
    %get3A_31 = arith.constant 0 : index
    %get3A_32 = arith.constant 0 : index
    %get3A_33 = vector.load %arg8[%get3A_31, %get3A_32] : memref<1x384xf32, #tpu.memory_space<vmem>>, vector<1x384xf32>
    %add3A_34 = vector.broadcast %get3A_33 : vector<1x384xf32> to vector<1024x384xf32>
    %add3A_35 = arith.addf %dot_general3A_30, %add3A_34 : vector<1024x384xf32>
    %slice3A = vector.extract_strided_slice %add3A_24 {offsets = [0, 0], sizes = [1024, 128], strides = [1, 1]} : vector<1024x384xf32> to vector<1024x128xf32>
    %slice3A_36 = vector.extract_strided_slice %add3A_35 {offsets = [0, 0], sizes = [1024, 128], strides = [1, 1]} : vector<1024x384xf32> to vector<1024x128xf32>
    %add3A_37 = arith.addf %slice3A, %slice3A_36 : vector<1024x128xf32>
    %logistic3A = arith.negf %add3A_37 : vector<1024x128xf32>
    %logistic3A_38 = math.exp %logistic3A : vector<1024x128xf32>
    %logistic3A_39 = arith.constant 1.000000e+00 : f32
    %logistic3A_40 = vector.broadcast %logistic3A_39 : f32 to vector<1024x128xf32>
    %logistic3A_41 = arith.addf %logistic3A_40, %logistic3A_38 : vector<1024x128xf32>
    %logistic3A_42 = arith.divf %logistic3A_40, %logistic3A_41 : vector<1024x128xf32>
    %slice3A_43 = vector.extract_strided_slice %add3A_24 {offsets = [0, 128], sizes = [1024, 128], strides = [1, 1]} : vector<1024x384xf32> to vector<1024x128xf32>
    %slice3A_44 = vector.extract_strided_slice %add3A_35 {offsets = [0, 128], sizes = [1024, 128], strides = [1, 1]} : vector<1024x384xf32> to vector<1024x128xf32>
    %add3A_45 = arith.addf %slice3A_43, %slice3A_44 : vector<1024x128xf32>
    %logistic3A_46 = arith.negf %add3A_45 : vector<1024x128xf32>
    %logistic3A_47 = math.exp %logistic3A_46 : vector<1024x128xf32>
    %logistic3A_48 = arith.constant 1.000000e+00 : f32
    %logistic3A_49 = vector.broadcast %logistic3A_48 : f32 to vector<1024x128xf32>
    %logistic3A_50 = arith.addf %logistic3A_49, %logistic3A_47 : vector<1024x128xf32>
    %logistic3A_51 = arith.divf %logistic3A_49, %logistic3A_50 : vector<1024x128xf32>
    %slice3A_52 = vector.extract_strided_slice %add3A_24 {offsets = [0, 256], sizes = [1024, 128], strides = [1, 1]} : vector<1024x384xf32> to vector<1024x128xf32>
    %slice3A_53 = vector.extract_strided_slice %add3A_35 {offsets = [0, 256], sizes = [1024, 128], strides = [1, 1]} : vector<1024x384xf32> to vector<1024x128xf32>
    %mul3A = arith.mulf %logistic3A_42, %slice3A_53 : vector<1024x128xf32>
    %add3A_54 = arith.addf %slice3A_52, %mul3A : vector<1024x128xf32>
    %tanh3A = math.tanh %add3A_54 : vector<1024x128xf32>
    %sub3A = arith.constant 1.000000e+00 : f32
    %sub3A_55 = vector.broadcast %sub3A : f32 to vector<1024x128xf32>
    %sub3A_56 = arith.subf %sub3A_55, %logistic3A_51 : vector<1024x128xf32>
    %mul3A_57 = arith.mulf %sub3A_56, %tanh3A : vector<1024x128xf32>
    %mul3A_58 = arith.mulf %logistic3A_51, %get3A_1 : vector<1024x128xf32>
    %add3A_59 = arith.addf %mul3A_57, %mul3A_58 : vector<1024x128xf32>
    %get3A_60 = arith.constant 0 : index
    %get3A_61 = arith.constant 0 : index
    %get3A_62 = vector.load %arg9[%get3A_60, %get3A_61] : memref<128x8xf32, #tpu.memory_space<vmem>>, vector<128x8xf32>
    %dot_general3A_63 = arith.constant dense<0.000000e+00> : vector<1024x8xf32>
    %dot_general3A_64 = tpu.matmul %add3A_59, %get3A_62, %dot_general3A_63 {dimension_numbers = #tpu.dot_dimension_numbers<[1], [0], [0], [1], [0, 0, 1, 1], [], []>, transpose_lhs_hint = false} : vector<1024x128xf32>, vector<128x8xf32>, vector<1024x8xf32> -> vector<1024x8xf32>
    %get3A_65 = arith.constant 0 : index
    %get3A_66 = arith.constant 0 : index
    %get3A_67 = vector.load %arg10[%get3A_65, %get3A_66] : memref<1x8xf32, #tpu.memory_space<vmem>>, vector<1x8xf32>
    %add3A_68 = vector.broadcast %get3A_67 : vector<1x8xf32> to vector<1024x8xf32>
    %add3A_69 = arith.addf %dot_general3A_64, %add3A_68 : vector<1024x8xf32>
    %reduce_max3A = arith.constant dense<0xFF800000> : vector<1024xf32>
    %reduce_max3A_70 = vector.multi_reduction <maximumf>, %add3A_69, %reduce_max3A [1] : vector<1024x8xf32> to vector<1024xf32>
    %broadcast_in_dim3A = vector.shape_cast %reduce_max3A_70 : vector<1024xf32> to vector<1024x1xf32>
    %sub3A_71 = vector.broadcast %broadcast_in_dim3A : vector<1024x1xf32> to vector<1024x8xf32>
    %sub3A_72 = arith.subf %add3A_69, %sub3A_71 : vector<1024x8xf32>
    %exp3A = math.exp %sub3A_72 : vector<1024x8xf32>
    %reduce_sum3A = arith.constant dense<0.000000e+00> : vector<1024xf32>
    %reduce_sum3A_73 = vector.multi_reduction <add>, %exp3A, %reduce_sum3A [1] : vector<1024x8xf32> to vector<1024xf32>
    %broadcast_in_dim3A_74 = vector.shape_cast %reduce_sum3A_73 : vector<1024xf32> to vector<1024x1xf32>
    %div3A = vector.broadcast %broadcast_in_dim3A_74 : vector<1024x1xf32> to vector<1024x8xf32>
    %div3A_75 = arith.divf %exp3A, %div3A : vector<1024x8xf32>
    %get3A_76 = arith.constant 0 : index
    %get3A_77 = arith.constant 0 : index
    %get3A_78 = vector.load %arg11[%get3A_76, %get3A_77] : memref<512x2048xbf16, #tpu.memory_space<vmem>>, vector<512x2048xbf16>
    %dot_general3A_79 = arith.constant dense<0.000000e+00> : vector<1024x2048xf32>
    %dot_general3A_80 = tpu.matmul %convert_element_type3A, %get3A_78, %dot_general3A_79 {dimension_numbers = #tpu.dot_dimension_numbers<[1], [0], [0], [1], [0, 0, 1, 1], [], []>, transpose_lhs_hint = false} : vector<1024x512xbf16>, vector<512x2048xbf16>, vector<1024x2048xf32> -> vector<1024x2048xf32>
    %get3A_81 = arith.constant 0 : index
    %get3A_82 = arith.constant 0 : index
    %get3A_83 = vector.load %arg12[%get3A_81, %get3A_82] : memref<1x2048xf32, #tpu.memory_space<vmem>>, vector<1x2048xf32>
    %add3A_84 = vector.broadcast %get3A_83 : vector<1x2048xf32> to vector<1024x2048xf32>
    %add3A_85 = arith.addf %dot_general3A_80, %add3A_84 : vector<1024x2048xf32>
    %max3A_86 = arith.constant 0.000000e+00 : f32
    %max3A_87 = vector.broadcast %max3A_86 : f32 to vector<1024x2048xf32>
    %max3A_88 = arith.maximumf %add3A_85, %max3A_87 : vector<1024x2048xf32>
    %get3A_89 = arith.constant 0 : index
    %get3A_90 = arith.constant 0 : index
    %get3A_91 = vector.load %arg15[%get3A_89, %get3A_90] : memref<8x2048xf32, #tpu.memory_space<vmem>>, vector<8x2048xf32>
    %dot_general3A_92 = arith.constant dense<0.000000e+00> : vector<1024x2048xf32>
    %dot_general3A_93 = tpu.matmul %div3A_75, %get3A_91, %dot_general3A_92 {dimension_numbers = #tpu.dot_dimension_numbers<[1], [0], [0], [1], [0, 0, 1, 1], [], []>, transpose_lhs_hint = false} : vector<1024x8xf32>, vector<8x2048xf32>, vector<1024x2048xf32> -> vector<1024x2048xf32>
    %mul3A_94 = arith.mulf %max3A_88, %dot_general3A_93 : vector<1024x2048xf32>
    %convert_element_type3A_95 = arith.truncf %mul3A_94 : vector<1024x2048xf32> to vector<1024x2048xbf16>
    %get3A_96 = arith.constant 0 : index
    %get3A_97 = arith.constant 0 : index
    %get3A_98 = vector.load %arg13[%get3A_96, %get3A_97] : memref<2048x18xbf16, #tpu.memory_space<vmem>>, vector<2048x18xbf16>
    %dot_general3A_99 = arith.constant dense<0.000000e+00> : vector<1024x18xf32>
    %dot_general3A_100 = tpu.matmul %convert_element_type3A_95, %get3A_98, %dot_general3A_99 {dimension_numbers = #tpu.dot_dimension_numbers<[1], [0], [0], [1], [0, 0, 1, 1], [], []>, transpose_lhs_hint = false} : vector<1024x2048xbf16>, vector<2048x18xbf16>, vector<1024x18xf32> -> vector<1024x18xf32>
    %get3A_101 = arith.constant 0 : index
    %get3A_102 = arith.constant 0 : index
    %get3A_103 = vector.load %arg14[%get3A_101, %get3A_102] : memref<8x18xf32, #tpu.memory_space<vmem>>, vector<8x18xf32>
    %dot_general3A_104 = arith.constant dense<0.000000e+00> : vector<1024x18xf32>
    %dot_general3A_105 = tpu.matmul %div3A_75, %get3A_103, %dot_general3A_104 {dimension_numbers = #tpu.dot_dimension_numbers<[1], [0], [0], [1], [0, 0, 1, 1], [], []>, transpose_lhs_hint = false} : vector<1024x8xf32>, vector<8x18xf32>, vector<1024x18xf32> -> vector<1024x18xf32>
    %add3A_106 = arith.addf %dot_general3A_100, %dot_general3A_105 : vector<1024x18xf32>
    %swap3A = arith.constant 0 : index
    %swap3A_107 = arith.constant 0 : index
    %swap3A_108 = vector.load %arg16[%swap3A, %swap3A_107] : memref<1024x18xf32, #tpu.memory_space<vmem>>, vector<1024x18xf32>
    tpu.vector_store %arg16[%swap3A, %swap3A_107], %add3A_106 {strides = array<i32>} : memref<1024x18xf32, #tpu.memory_space<vmem>>, vector<1024x18xf32>,
    %swap3A_109 = arith.constant 0 : index
    %swap3A_110 = arith.constant 0 : index
    %swap3A_111 = vector.load %arg17[%swap3A_109, %swap3A_110] : memref<1024x8xf32, #tpu.memory_space<vmem>>, vector<1024x8xf32>
    tpu.vector_store %arg17[%swap3A_109, %swap3A_110], %div3A_75 {strides = array<i32>} : memref<1024x8xf32, #tpu.memory_space<vmem>>, vector<1024x8xf32>,
    %swap3A_112 = arith.constant 0 : index
    %swap3A_113 = arith.constant 0 : index
    %swap3A_114 = vector.load %arg18[%swap3A_112, %swap3A_113] : memref<1024x128xf32, #tpu.memory_space<vmem>>, vector<1024x128xf32>
    tpu.vector_store %arg18[%swap3A_112, %swap3A_113], %add3A_59 {strides = array<i32>} : memref<1024x128xf32, #tpu.memory_space<vmem>>, vector<1024x128xf32>,
    return
  }
  func.func @transform_0(%arg0: i32) -> (i32, i32) {
    %c0_i32 = arith.constant 0 : i32
    %c0_i32_0 = arith.constant 0 : i32
    %c0_i32_1 = arith.constant 0 : i32
    return %c0_i32, %c0_i32_0 : i32, i32
  }
  func.func @transform_1(%arg0: i32) -> (i32, i32) {
    %c0_i32 = arith.constant 0 : i32
    %c0_i32_0 = arith.constant 0 : i32
    %c0_i32_1 = arith.constant 0 : i32
    return %c0_i32, %c0_i32_0 : i32, i32
  }
  func.func @transform_2(%arg0: i32) -> (i32, i32) {
    %c0_i32 = arith.constant 0 : i32
    %c0_i32_0 = arith.constant 0 : i32
    %c0_i32_1 = arith.constant 0 : i32
    return %c0_i32, %c0_i32_0 : i32, i32
  }
  func.func @transform_3(%arg0: i32) -> (i32, i32) {
    %c0_i32 = arith.constant 0 : i32
    %c0_i32_0 = arith.constant 0 : i32
    %c0_i32_1 = arith.constant 0 : i32
    return %c0_i32, %c0_i32_0 : i32, i32
  }
  func.func @transform_4(%arg0: i32) -> (i32, i32) {
    %c0_i32 = arith.constant 0 : i32
    %c0_i32_0 = arith.constant 0 : i32
    %c0_i32_1 = arith.constant 0 : i32
    return %c0_i32, %c0_i32_0 : i32, i32
  }
  func.func @transform_5(%arg0: i32) -> (i32, i32) {
    %c0_i32 = arith.constant 0 : i32
    %c0_i32_0 = arith.constant 0 : i32
    %c0_i32_1 = arith.constant 0 : i32
    return %c0_i32, %c0_i32_0 : i32, i32
  }
  func.func @transform_6(%arg0: i32) -> (i32, i32) {
    %c0_i32 = arith.constant 0 : i32
    %c0_i32_0 = arith.constant 0 : i32
    %c0_i32_1 = arith.constant 0 : i32
    return %c0_i32, %c0_i32_0 : i32, i32
  }
  func.func @transform_7(%arg0: i32) -> (i32, i32) {
    %c0_i32 = arith.constant 0 : i32
    %c0_i32_0 = arith.constant 0 : i32
    %c0_i32_1 = arith.constant 0 : i32
    return %c0_i32, %c0_i32_0 : i32, i32
  }
  func.func @transform_8(%arg0: i32) -> (i32, i32) {
    %c0_i32 = arith.constant 0 : i32
    %c0_i32_0 = arith.constant 0 : i32
    %c0_i32_1 = arith.constant 0 : i32
    return %c0_i32, %c0_i32_0 : i32, i32
  }
  func.func @transform_9(%arg0: i32) -> (i32, i32) {
    %c0_i32 = arith.constant 0 : i32
    %c0_i32_0 = arith.constant 0 : i32
    %c0_i32_1 = arith.constant 0 : i32
    return %c0_i32, %c0_i32_0 : i32, i32
  }
  func.func @transform_10(%arg0: i32) -> (i32, i32) {
    %c0_i32 = arith.constant 0 : i32
    %c0_i32_0 = arith.constant 0 : i32
    %c0_i32_1 = arith.constant 0 : i32
    return %c0_i32, %c0_i32_0 : i32, i32
  }
  func.func @transform_11(%arg0: i32) -> (i32, i32) {
    %c0_i32 = arith.constant 0 : i32
    %c0_i32_0 = arith.constant 0 : i32
    %c0_i32_1 = arith.constant 0 : i32
    return %c0_i32, %c0_i32_0 : i32, i32
  }
  func.func @transform_12(%arg0: i32) -> (i32, i32) {
    %c0_i32 = arith.constant 0 : i32
    %c0_i32_0 = arith.constant 0 : i32
    %c0_i32_1 = arith.constant 0 : i32
    return %c0_i32, %c0_i32_0 : i32, i32
  }
  func.func @transform_13(%arg0: i32) -> (i32, i32) {
    %c0_i32 = arith.constant 0 : i32
    %c0_i32_0 = arith.constant 0 : i32
    %c0_i32_1 = arith.constant 0 : i32
    return %c0_i32, %c0_i32_0 : i32, i32
  }
  func.func @transform_14(%arg0: i32) -> (i32, i32) {
    %c0_i32 = arith.constant 0 : i32
    %c0_i32_0 = arith.constant 0 : i32
    %c0_i32_1 = arith.constant 0 : i32
    return %c0_i32, %c0_i32_0 : i32, i32
  }
  func.func @transform_15(%arg0: i32) -> (i32, i32) {
    %c0_i32 = arith.constant 0 : i32
    %c0_i32_0 = arith.constant 0 : i32
    %c0_i32_1 = arith.constant 0 : i32
    return %c0_i32, %c0_i32_0 : i32, i32
  }
  func.func @transform_16(%arg0: i32) -> (i32, i32) {
    %c0_i32 = arith.constant 0 : i32
    %c0_i32_0 = arith.constant 0 : i32
    %c0_i32_1 = arith.constant 0 : i32
    return %c0_i32, %c0_i32_0 : i32, i32
  }
  func.func @transform_17(%arg0: i32) -> (i32, i32) {
    %c0_i32 = arith.constant 0 : i32
    %c0_i32_0 = arith.constant 0 : i32
    %c0_i32_1 = arith.constant 0 : i32
    return %c0_i32, %c0_i32_0 : i32, i32
  }
}

</mosaic_0001>

<sc_bundles>
// kernel: sparse-core-data-format-call.1.cloned.1.call-start
scs
called_computation.1_lowered:
.L_overlay_start_0:
0x0: {  	s1 =	sld [smem:$0x3FD9]  }
0x1: {  	s2 =	sld [smem:$0x3FFE];
	_ =	sdelay $0x1  }
0x2: {  	s3 =	srdreg.scid  }
0x3: {  	s0 =	sand.u32 $0x1, s3  }
0x4: {  	s17 =	sshll.u32 s0, $0xA;
	s1 =	sadd.s32 s2, s1  }
0x5: {  	s1 =	sadd.s32 s1, s17  }
0x6: {  	[smem:$0x3FB4] =	sst s1  }
0x7: {  	_ = 	snop  }
0x8: {  	(tm) =	ssettm $0x1  }
0x9: {  	s18 =	sld [smem:$0x3FFB];
	_ =	sdelay $0x3  }
0xa: {  	_ =	strace s18  }
0xb: {  	s1 =	sld [smem:$0x3FFC];
	_ =	sdelay $0x3  }
0xc: {  	_ =	strace s1  }
0xd: {  	s1 =	sld [smem:$0x3FFD];
	_ =	sdelay $0x3  }
0xe: {  	_ =	strace s1  }
0xf: {  	_ =	strace $0x8FFFFFFF  }
0x10: {  	s19 =	sld [smem:$0x3FDB];
	_ =	sdelay $0x1  }
0x11: {  	s20 =	simm.s32 $_scs_section_size  }
0x12: {  	s4 =	simm.s32 $_size__tile_overlayer_lowered;
	s5 =	simm.s32 $_tile_overlayer_lowered  }
0x13: {  	s23 =	simm.s32 $0x1BFF;
	s22 =	sshll.u32 s5, $0x1;
	s1 =	sadd.s32 s20, s19  }
0x14: {  	s6 =	simm.s32 $0x0;
	s21 =	sshll.u32 s4, $0x1;
	s4 =	sadd.s32 s22, s1  }
0x15: {  	[timem:s6], [sflag:s23] =	dma.local [hbm:s4], s21  }
0x16: {  	_ =	swait.ge [sflag:s23], s21  }
0x17: {  	s2 =	ssub.s32 $0x0, s21;
	[sflag:s23] =	ssyncset.done $0x0  }
0x18: {  	[sflag:s23] =	ssyncadd.s32 s2;
	_ =	sdelay $0x1  }
0x19: {  	s24 =	simm.s32 $0x1B8B  }
0x1a: {  	_ =	swait.ge [sflag:s24], $0x1  }
0x1b: {  	[sflag:s24] =	ssyncset.done $0x0  }
0x1c: {  	s26 =	simm.s32 $0x1B8E;
	s25 =	sld [smem:$0x3FFE];
	[sflag:s24] =	ssyncadd.s32 $0xFFFFFFFF  }
0x1d: {  	s27 =	simm.s32 $execute0_lowered;
	[smem:$0x3FD2] =	sst s26  }
0x1e: {  	s4 =	sshll.u32 s27, $0x1;
	_ =	strace $0x80000046;
	[dreg:$0x1] =	wrdreg $0xFFFFFFFF  }
0x1f: {  	s28 =	simm.s32 $_size_execute0_lowered;
	s1 =	sadd.s32 s1, s4;
	[dreg:$0x0] =	wrdreg $0x0  }
0x20: {  	s4 =	sshll.u32 s28, $0x1;
	[dreg:$0x2] =	wrdreg s1  }
0x21: {  	[dreg:$0x3] =	wrdreg s4  }
0x22: {  	[dreg:$0x4] =	wrdreg $0xC0  }
0x23: {  	_ =	task [dreg:s6], $0x5FFFF  }
0x24: {  	[dreg:$0x1] =	wrdreg $0xFFFFFFFF  }
0x25: {  	[dreg:$0x0] =	wrdreg $0x60  }
0x26: {  	[dreg:$0x2] =	wrdreg s25  }
0x27: {  	[dreg:$0x3] =	wrdreg $0x9  }
0x28: {  	_ =	task.clear_ibuf [dreg:s6], $0x4FFFF;
	_ =	strace $0x90000046  }
0x29: {  	s29 =	simm.s32 $0x9;
	_ =	strace $0x80000048  }
0x2a: {  	_ =	swait.ge [sflag:s29], $0x1  }
0x2b: {  	[sflag:s29] =	ssyncadd.s32 $0xFFFFFFFF  }
0x2c: {  	_ =	strace $0x90000048  }
0x2d: {  	_ =	sfence  }
0x2e: {  	s30 =	sld [smem:$0x0];
	_ =	sdelay $0x2  }
0x2f: {  	s31 =	sshll.u32 s3, $0xD;
	s3 =	sshrl.u32 s3, $0x2  }
0x30: {  	s2 =	sand.u32 $0x4000, s31;
	s1 =	sadd.s32 s3, s30  }
0x31: {  	s0 =	sor.u32 s2, s0;
	s1 =	sshll.u32 s1, $0x11  }
0x32: {  	s0 =	sor.u32 s1, s0  }
0x33: {  	s0 =	sadd.s32 $0x8F2B, s0  }
0x34: {  	[sflag:s0] =	ssyncadd.remote.s32 $0x1  }
0x35: {  	_ =	sfence.sel $0xFFFF  }
0x36: {  	[dreg:$0x0] =	wrdreg $0xFFFFFFFF;
	(pc) =	sbr.abs _section_cstart, $3  }
0x37: {  	[dreg:$0x1] =	wrdreg $0xFFFFFFFF  }
0x38: {  	_ =	task.clear_ibuf [dreg:s6], $0x2FFFF;
	_ =	strace $0x9FFFFFFF  }
0x39: {  	(tm) =	ssettm $0x7FFFFFFF  }
tec
execute0_lowered:
.L_overlay_start_1:
0x0: {  	(tag) =	ssettag $0x1  }
0x1: {  	s0 =	srdreg.scid  }
0x2: {  	s5 =	stileid.u32;
	s0 =	sshll.u32 s0, $0x1  }
0x3: {  	s3 =	rddreg [dreg:$0x0];
	_ =	strace $0x80000047;
	s6 =	sand.u32 $0x2, s0  }
0x4: {  	s29 =	simm.s32 $0x1;
	s31 =	simm.s32 $0x2;
	s0 =	ssub.s32 $0x4, s6  }
0x5: {  	s14 =	simm.s32 $0x0;
	s15 =	simm.s32 $0x0;
	s1 =	sshrl.u32 s0, $0x1  }
0x6: {  	s2 =	ssub.s32 $0x24, s5;
	s0 =	sshrl.u32 s0, $0x2;
	s1 =	sand.u32 $0x1, s1  }
0x7: {  	s16 =	simm.s32 $0x0;
	s2 =	sshrl.u32 s2, $0x4;
	s0 =	sadd.s32 s0, s1  }
0x8: {  	s11 =	stileid.u32;
	s30 =	sadd.s32 $0x1BB200, s3;
	s0 =	smul.u32 s0, s2  }
.Ltmp0:
0x9: {  	s7 =	sadd.s32 $0x2200, s3;
	[dreg:$0x9] =	wrdreg s30;
	(pc) =	sbr.rel .LBB1_1-.Ltmp0, $4  }
0xa: {  	s13 =	simm.s32 $0x0;
	[dreg:$0x7] =	wrdreg s7;
	s8 =	smul.u32 $0x15, s0  }
0xb: {  	s12 =	simm.s32 $0x0;
	s21 =	simm.s32 $0x0;
	[dreg:$0x6] =	wrdreg s6  }
0xc: {  	[sflag:s29] =	ssyncpa.u1 $0x0;
	s9 =	sadd.s32 $0x1, s8;
	[dreg:$0x8] =	wrdreg s8  }
0xd: {  	[sflag:s31] =	ssyncpa.u1 $0x0;
	s10 =	smov.u32 s6;
	[dreg:$0xa] =	wrdreg s9  }
.LBB1_11:
0xe: {  	s0 =	sadd.s32 $0x1, s13  }
0xf: {  	s1 =	sadd.s32 $0x4, s10;
	s2 =	smov.u32 s10;
	p1 =	sgt.s32 s0, $0x14  }
0x10: {  	s2 =	smov.u32 @p1 s1  }
0x11: {  	s3 =	sadd.s32 $0x10, s11;
	s4 =	smov.u32 s11;
	p2 =	sgt.s32 s2, $0x3  }
0x12: {  	s4 =	smov.u32 @p2 s3  }
0x13: {  	s0 =	simm.s32 @p1 $0x0;
	p1 =	sgt.s32 s4, $0x14  }
0x14: {  	p0 =	slt.u32 s12, $0x2;
	s4 =	smov.u32 @p1 s5;
	p1 =	sne.s32 s12, s9  }
.Ltmp1:
0x15: {  	s1 =	simm.s32 @!p0 $0x2;
	(pc) =	sbr.rel @!p1 .LBB1_12-.Ltmp1, $4  }
0x16: {  	s14 =	smov.u32 s13;
	_ =	swait.ge @!p0 [sflag:s1], $0x4000  }
0x17: {  	s15 =	smov.u32 s10;
	s16 =	smov.u32 s11;
	[sflag:s1] =	ssyncset.done @!p0 $0x0  }
0x18: {  	s13 =	smov.u32 s0;
	s2 =	smov.u32 @p2 s6;
	[sflag:s1] =	ssyncadd.s32 @!p0 $0xFFFFC000  }
0x19: {  	s10 =	smov.u32 s2;
	s12 =	sadd.s32 $0x1, s12;
	s11 =	smov.u32 s4  }
.LBB1_1:
0x1a: {  	p0 =	sge.u32 s12, s8  }
0x1b: {  	s0 =	smul.u32 @!p0 $0x15000, s11  }
0x1c: {  	s31 =	sadd.s32 $0xFFFFFFFF, s12;
	s1 =	smul.u32 @!p0 $0x5400, s10  }
0x1d: {  	s2 =	sxor.u32 @!p0 $0xFFFFFFFF, s12;
	s3 =	sshll.u32 @!p0 s13, $0xA;
	s0 =	sadd.s32 @!p0 s7, s0  }
0x1e: {  	s0 =	sadd.s32 @!p0 s1, s0;
	s1 =	sshll.u32 @!p0 s2, $0xE;
	s2 =	simm.s32 @!p0 $0x2000  }
0x1f: {  	s0 =	sadd.s32 @!p0 s3, s0;
	s1 =	sand.u32 @!p0 $0x4000, s1;
	s3 =	simm.s32 @!p0 $0x2A000  }
0x20: {  	[tilespmem:s1], [sflag:$0x1] =	stream.strided.gather @!p0 [hbm4b:s0+s2], $0x4000, s3, s2, $0x38;
	[tilespmem:$0x10000] =	vst v63  }
0x21: {  	p0 =	sge.u32 s31, s8  }
.Ltmp2:
0x22: {  	_ = 	snop;
	(pc) =	sbr.rel @p0 .LBB1_11-.Ltmp2, $1  }
0x23: {  	_ =	sdelay $0x3  }
0x24: {  	[dreg:$0xe] =	wrdreg s16  }
0x25: {  	[dreg:$0xd] =	wrdreg s15  }
0x26: {  	[dreg:$0xc] =	wrdreg s14  }
0x27: {  	[dreg:$0xb] =	wrdreg s13;
	s1 =	simm.s32 $0x1  }
0x28: {  	s0 =	sshll.u32 s12, $0xE;
	_ =	swait.ge [sflag:s1], $0x4000  }
0x29: {  	p1 =	por $0x1, $0x1;
	s17 =	sand.u32 $0x4000, s0;
	[sflag:s1] =	ssyncset.done $0x0  }
0x2a: {  	s0 =	simm.s32 $0x0;
	s16 =	sor.u32 $0x8000, s17;
	[sflag:s1] =	ssyncadd.s32 $0xFFFFC000  }
.LBB1_3:
0x2b: {  	s0 =	sshra.s32 s0, $0x2;
	p0 =	por p1, p1;
	p2 =	por $0x1, $0x1  }
0x2c: {  	s18 =	sadd.s32 s0, s17;
	s19 =	sadd.s32 s0, s16;
	s0 =	simm.s32 $0x0  }
.LBB1_4:
0x2d: {  	s1 =	sshll.u32 s0, $0xB  }
0x2e: {  	s1 =	sand.u32 $0x3FFFF800, s1  }
0x2f: {  	s31 =	sshll.u32 s0, $0x7;
	s20 =	sadd.s32 s1, s18  }
0x30: {  	p1 =	por p2, p2;
	[dreg:$0x4] =	wrdreg s31;
	s1 =	sadd.s32 $0x800, s20  }
0x31: {  	p3 =	por $0x1, $0x1;
	s0 =	simm.s32 $0x0;
	[dreg:$0x3] =	wrdreg s1  }
.LBB1_5:
0x32: {  	s1 =	sshll.u32 s0, $0x7;
	s3 =	rddreg [dreg:$0x3]  }
0x33: {  	s9 =	sshll.u32 s0, $0xB;
	s13 =	sand.u32 $0x200, s21;
	[dreg:$0x2] =	wrdreg s1  }
0x34: {  	s14 =	sand.u32 $0x600, s21;
	s23 =	simm.s32 $0x0;
	s1 =	rddreg [dreg:$0x2]  }
0x35: {  	s26 =	rddreg [dreg:$0x4];
	s0 =	sand.u32 $0x3FFFF800, s9;
	s1 =	sor.u32 s1, s13  }
0x36: {  	p2 =	por p3, p3;
	s22 =	sadd.s32 s0, s19;
	s1 =	sshrl.u32 s1, $0x1  }
0x37: {  	s4 =	sadd.s32 s14, s20;
	s2 =	sadd.s32 $0x800, s22;
	s7 =	sor.u32 $0x70, s1  }
0x38: {  	[dreg:$0x5] =	wrdreg s2;
	s2 =	sadd.s32 s14, s3;
	s8 =	sadd.s32 s7, s4  }
0x39: {  	s9 =	simm.s32 $0x0;
	s6 =	sor.u32 $0x10, s1;
	s7 =	sadd.s32 s7, s2;
	v0 =	vld [tilespmem:s8+$0x0]  }
0x3a: {  	s0 =	sor.u32 s26, s13;
	s26 =	sand.u32 $0x600, s9;
	s28 =	sadd.s32 s6, s4;
	v1 =	vld [tilespmem:s7+$0x0]  }
0x3b: {  	s9 =	sor.u32 $0x20, s0;
	s15 =	sor.u32 $0x20, s1;
	s6 =	sadd.s32 s6, s2;
	v2 =	vld [tilespmem:s28+$0x0]  }
0x3c: {  	s14 =	sor.u32 $0xE0, s0;
	s24 =	sor.u32 $0x30, s1;
	s5 =	sadd.s32 s15, s4;
	v3 =	vld [tilespmem:s6+$0x0]  }
0x3d: {  	s25 =	sor.u32 $0x40, s1;
	s27 =	sor.u32 $0x50, s1;
	s3 =	sadd.s32 s15, s2;
	v4 =	vld [tilespmem:s5+$0x0]  }
0x3e: {  	s29 =	rddreg [dreg:$0x5];
	s31 =	sadd.s32 s1, s4;
	s30 =	sadd.s32 s25, s4;
	v6 =	vld [tilespmem:s3+$0x0]  }
0x3f: {  	s13 =	sadd.s32 s24, s2;
	s15 =	sadd.s32 s27, s4;
	s8 =	sor.u32 $0x60, s1;
	v10 =	vld [tilespmem:s30+$0x0]  }
0x40: {  	s28 =	sadd.s32 s24, s4;
	s24 =	sadd.s32 s26, s29;
	s7 =	sadd.s32 s27, s2;
	v12 =	vld [tilespmem:s15+$0x0];
	v5 =	vunpack.i.l.s16.s32 v0  }
0x41: {  	s29 =	sadd.s32 s25, s2;
	s25 =	sshrl.u32 s14, $0x1;
	s5 =	sadd.s32 s1, s2;
	v15 =	vld [tilespmem:s7+$0x0];
	v7 =	vunpack.i.u.s16.s32 v0;
	v8 =	vunpack.i.u.s16.s32 v1;
	v0 =	vunpack.i.l.s16.s32 v1  }
0x42: {  	s14 =	sor.u32 $0x60, s0;
	s1 =	sshrl.u32 s9, $0x1;
	s15 =	sor.u32 $0xC0, s0;
	v1 =	vld [tilespmem:s28+$0x0];
	v9 =	vunpack.i.u.s16.s32 v3;
	v3 =	vunpack.i.l.s16.s32 v3;
	v0 =	vpack.i.b32.b16 v0, v5  }
0x43: {  	s27 =	sadd.s32 s25, s24;
	s4 =	sadd.s32 s8, s4;
	s6 =	sadd.s32 s8, s2;
	v5 =	vpack.i.b32.b16 v8, v7;
	v7 =	vunpack.i.u.s16.s32 v2;
	v8 =	vld [tilespmem:s13+$0x0];
	v2 =	vunpack.i.l.s16.s32 v2  }
0x44: {  	v11 =	vld [tilespmem:s29+$0x0];
	s29 =	sor.u32 $0xA0, s0;
	s8 =	sshrl.u32 s14, $0x1;
	s13 =	sor.u32 $0x40, s0;
	v2 =	vpack.i.b32.b16 v3, v2;
	v3 =	vunpack.i.u.s16.s32 v4;
	v4 =	vunpack.i.l.s16.s32 v4  }
0x45: {  	s2 =	sshrl.u32 s13, $0x1;
	v9 =	vpack.i.b32.b16 v9, v7;
	v7 =	vunpack.i.u.s16.s32 v6;
	v6 =	vunpack.i.l.s16.s32 v6;
	s13 =	sshrl.u32 s29, $0x1;
	s29 =	sadd.s32 s26, s22  }
0x46: {  	s9 =	sshrl.u32 s15, $0x1;
	s28 =	sor.u32 $0x80, s0;
	v16 =	vunpack.i.u.s16.s32 v10;
	[tilespmem:s27+$0x0] =	vst v5;
	v5 =	vunpack.i.l.s16.s32 v10;
	v13 =	vpack.i.b32.b16 v6, v4;
	s15 =	sadd.s32 s2, s29  }
0x47: {  	s30 =	sshrl.u32 s28, $0x1;
	s28 =	sshrl.u32 s0, $0x1;
	v10 =	vunpack.i.u.s16.s32 v12;
	v3 =	vpack.i.b32.b16 v7, v3;
	s14 =	sadd.s32 s1, s29;
	[tilespmem:s15+$0x0] =	vst v13;
	v13 =	vunpack.i.l.s16.s32 v15  }
0x48: {  	s26 =	simm.s32 $0x0;
	s27 =	simm.s32 $0x0;
	s1 =	sadd.s32 s1, s24;
	[tilespmem:s14+$0x0] =	vst v2;
	v2 =	vld [tilespmem:s31+$0x0];
	v14 =	vunpack.i.u.s16.s32 v1;
	v4 =	vunpack.i.l.s16.s32 v1;
	v6 =	vunpack.i.l.s16.s32 v8  }
0x49: {  	s2 =	sadd.s32 s2, s24;
	s7 =	sadd.s32 s8, s29;
	s3 =	sadd.s32 s30, s29;
	v1 =	vld [tilespmem:s4+$0x0];
	v7 =	vunpack.i.u.s16.s32 v8;
	v8 =	vunpack.i.l.s16.s32 v11;
	v6 =	vpack.i.b32.b16 v6, v4  }
0x4a: {  	s0 =	sadd.s32 s13, s29;
	s31 =	sadd.s32 s9, s29;
	[tilespmem:s1+$0x0] =	vst v9;
	s1 =	sadd.s32 s13, s24;
	v4 =	vld [tilespmem:s6+$0x0];
	v7 =	vpack.i.b32.b16 v7, v14;
	v14 =	vunpack.i.u.s16.s32 v11;
	v8 =	vpack.i.b32.b16 v8, v5  }
0x4b: {  	s6 =	sadd.s32 s8, s24;
	s8 =	sadd.s32 s30, s24;
	v11 =	vunpack.i.l.s16.s32 v12;
	v5 =	vld [tilespmem:s5+$0x0];
	v12 =	vunpack.i.u.s16.s32 v15;
	s30 =	sadd.s32 s9, s24;
	v9 =	vpack.i.b32.b16 v14, v16  }
.LBB1_6:
0x4c: {  	s5 =	rddreg [dreg:$0x2];
	[tilespmem:s2+$0x0] =	vst v3;
	s26 =	sadd.s32 $0x200, s26  }
0x4d: {  	s4 =	sadd.s32 s28, s29;
	s2 =	sadd.s32 s25, s29;
	[tilespmem:s7+$0x0] =	vst v6;
	s7 =	sand.u32 $0x200, s26  }
0x4e: {  	s23 =	sadd.s32 $0x80, s23;
	[tilespmem:s6+$0x0] =	vst v7;
	s27 =	sadd.s32 $0x100, s27;
	s5 =	sor.u32 s5, s7  }
0x4f: {  	s24 =	sadd.s32 s28, s24;
	[tilespmem:s3+$0x0] =	vst v8;
	s9 =	sand.u32 $0x600, s27;
	s28 =	sshrl.u32 s5, $0x1  }
0x50: {  	v3 =	vpack.i.b32.b16 v13, v11;
	v6 =	vpack.i.b32.b16 v12, v10;
	s25 =	rddreg [dreg:$0x3];
	[tilespmem:s8+$0x0] =	vst v9;
	s5 =	sadd.s32 s9, s20;
	v11 =	vunpack.i.u.s16.s32 v1;
	s13 =	sor.u32 $0x70, s28  }
0x51: {  	p3 =	slt.u32 s23, $0x380;
	[tilespmem:s0+$0x0] =	vst v3;
	s3 =	sadd.s32 s9, s25;
	v1 =	vunpack.i.l.s16.s32 v1;
	v10 =	vunpack.i.u.s16.s32 v4;
	v4 =	vunpack.i.l.s16.s32 v4;
	s14 =	sadd.s32 s13, s5  }
0x52: {  	[tilespmem:s1+$0x0] =	vst v6;
	s9 =	rddreg [dreg:$0x4];
	s29 =	sor.u32 $0x50, s28;
	v1 =	vpack.i.b32.b16 v4, v1;
	s15 =	sadd.s32 s13, s3;
	v3 =	vld [tilespmem:s14+$0x0]  }
0x53: {  	v12 =	vunpack.i.u.s16.s32 v2;
	v2 =	vunpack.i.l.s16.s32 v2;
	s8 =	sor.u32 $0x10, s28;
	s0 =	sor.u32 $0x20, s28;
	v4 =	vunpack.i.u.s16.s32 v5;
	s6 =	sadd.s32 s29, s5;
	[tilespmem:s31+$0x0] =	vst v1;
	v1 =	vld [tilespmem:s15+$0x0]  }
0x54: {  	s1 =	sor.u32 $0x30, s28;
	s25 =	sor.u32 $0x40, s28;
	v5 =	vunpack.i.l.s16.s32 v5;
	v7 =	vpack.i.b32.b16 v10, v11;
	v4 =	vpack.i.b32.b16 v4, v12;
	s14 =	sadd.s32 s8, s5;
	v12 =	vld [tilespmem:s6+$0x0]  }
0x55: {  	v2 =	vpack.i.b32.b16 v5, v2;
	s31 =	sor.u32 $0x60, s28;
	[tilespmem:s30+$0x0] =	vst v7;
	s8 =	sadd.s32 s8, s3;
	s30 =	sadd.s32 s0, s5;
	v5 =	vld [tilespmem:s14+$0x0]  }
0x56: {  	s15 =	sadd.s32 s0, s3;
	s0 =	sor.u32 s9, s7;
	s9 =	sadd.s32 s25, s5;
	[tilespmem:s4+$0x0] =	vst v2;
	v2 =	vld [tilespmem:s8+$0x0]  }
0x57: {  	[tilespmem:s2+$0x0] =	vst v0;
	s2 =	rddreg [dreg:$0x5];
	s7 =	sshrl.u32 s26, $0x1;
	s14 =	sadd.s32 s1, s5;
	v9 =	vld [tilespmem:s9+$0x0]  }
0x58: {  	s1 =	sadd.s32 s1, s3;
	s4 =	sand.u32 $0x600, s7;
	s13 =	sor.u32 $0xE0, s0;
	v8 =	vld [tilespmem:s14+$0x0]  }
0x59: {  	[tilespmem:s24+$0x0] =	vst v4;
	v4 =	vld [tilespmem:s30+$0x0];
	s8 =	sadd.s32 s29, s3;
	s9 =	sor.u32 $0x60, s0;
	s24 =	sadd.s32 s4, s2;
	v0 =	vunpack.i.l.s16.s32 v3  }
0x5a: {  	v6 =	vld [tilespmem:s15+$0x0];
	s2 =	sadd.s32 s25, s3;
	s25 =	sshrl.u32 s13, $0x1;
	s13 =	sor.u32 $0x20, s0;
	v3 =	vunpack.i.u.s16.s32 v3;
	v7 =	vunpack.i.u.s16.s32 v1;
	v1 =	vunpack.i.l.s16.s32 v1  }
0x5b: {  	s29 =	sor.u32 $0xA0, s0;
	s6 =	sor.u32 $0xC0, s0;
	v15 =	vld [tilespmem:s8+$0x0];
	s13 =	sshrl.u32 s13, $0x1;
	v0 =	vpack.i.b32.b16 v1, v0;
	v1 =	vpack.i.b32.b16 v7, v3;
	v3 =	vunpack.i.u.s16.s32 v5  }
0x5c: {  	s14 =	sadd.s32 s28, s5;
	s15 =	sadd.s32 s25, s24;
	s8 =	sadd.s32 s13, s24;
	v5 =	vunpack.i.l.s16.s32 v5;
	v7 =	vld [tilespmem:s1+$0x0];
	v16 =	vunpack.i.u.s16.s32 v9;
	v9 =	vunpack.i.l.s16.s32 v9  }
0x5d: {  	s1 =	sadd.s32 s31, s5;
	s5 =	sadd.s32 s31, s3;
	s3 =	sadd.s32 s28, s3;
	[tilespmem:s15+$0x0] =	vst v1;
	v1 =	vunpack.i.u.s16.s32 v2;
	v2 =	vunpack.i.l.s16.s32 v2;
	v14 =	vunpack.i.u.s16.s32 v8  }
0x5e: {  	v10 =	vld [tilespmem:s2+$0x0];
	s31 =	sshrl.u32 s9, $0x1;
	s9 =	sshrl.u32 s29, $0x1;
	s29 =	sadd.s32 s4, s22;
	v5 =	vpack.i.b32.b16 v2, v5;
	v2 =	vunpack.i.u.s16.s32 v4;
	v4 =	vunpack.i.l.s16.s32 v4  }
0x5f: {  	s28 =	sor.u32 $0x40, s0;
	s4 =	sshrl.u32 s6, $0x1;
	s7 =	sadd.s32 s13, s29;
	v11 =	vpack.i.b32.b16 v1, v3;
	v1 =	vunpack.i.u.s16.s32 v6;
	v3 =	vunpack.i.l.s16.s32 v6  }
.Ltmp3:
0x60: {  	s15 =	sor.u32 $0x80, s0;
	s30 =	sshrl.u32 s28, $0x1;
	v13 =	vpack.i.b32.b16 v3, v4;
	v4 =	vunpack.i.l.s16.s32 v8;
	v3 =	vpack.i.b32.b16 v1, v2;
	[tilespmem:s7+$0x0] =	vst v5;
	(pc) =	sbr.rel @p3 .LBB1_6-.Ltmp3, $4  }
0x61: {  	s28 =	sshrl.u32 s0, $0x1;
	s6 =	sadd.s32 s31, s24;
	s13 =	sadd.s32 s30, s29;
	v1 =	vld [tilespmem:s1+$0x0];
	[tilespmem:s8+$0x0] =	vst v11;
	v11 =	vunpack.i.l.s16.s32 v12;
	v8 =	vunpack.i.u.s16.s32 v7;
	v2 =	vunpack.i.l.s16.s32 v7  }
0x62: {  	s0 =	sadd.s32 s9, s29;
	s15 =	sshrl.u32 s15, $0x1;
	s2 =	sadd.s32 s30, s24;
	v5 =	vld [tilespmem:s3+$0x0];
	[tilespmem:s13+$0x0] =	vst v13;
	v13 =	vunpack.i.l.s16.s32 v15;
	v6 =	vpack.i.b32.b16 v2, v4;
	v7 =	vpack.i.b32.b16 v8, v14  }
0x63: {  	s30 =	sadd.s32 s4, s24;
	s7 =	sadd.s32 s31, s29;
	s3 =	sadd.s32 s15, s29;
	v4 =	vld [tilespmem:s5+$0x0];
	v14 =	vunpack.i.u.s16.s32 v10;
	v8 =	vunpack.i.l.s16.s32 v10;
	v10 =	vunpack.i.u.s16.s32 v12  }
0x64: {  	s8 =	sadd.s32 s15, s24;
	s1 =	sadd.s32 s9, s24;
	s31 =	sadd.s32 s4, s29;
	v2 =	vld [tilespmem:s14+$0x0];
	v12 =	vunpack.i.u.s16.s32 v15;
	v8 =	vpack.i.b32.b16 v8, v9;
	v9 =	vpack.i.b32.b16 v14, v16  }
0x65: {  	[tilespmem:s2+$0x0] =	vst v3  }
0x66: {  	[tilespmem:s7+$0x0] =	vst v6  }
0x67: {  	[tilespmem:s3+$0x0] =	vst v8  }
0x68: {  	[tilespmem:s6+$0x0] =	vst v7  }
0x69: {  	v52 =	vpack.i.b32.b16 v13, v11;
	[tilespmem:s8+$0x0] =	vst v9  }
0x6a: {  	s27 =	sadd.s32 s25, s29;
	[tilespmem:s0+$0x0] =	vst v52  }
0x6b: {  	v54 =	vpack.i.b32.b16 v12, v10;
	v53 =	vunpack.i.l.s16.s32 v1;
	[tilespmem:s27+$0x0] =	vst v0;
	v55 =	vunpack.i.l.s16.s32 v4  }
.Ltmp4:
0x6c: {  	v56 =	vunpack.i.u.s16.s32 v1;
	[tilespmem:s1+$0x0] =	vst v54;
	v57 =	vunpack.i.u.s16.s32 v4;
	v58 =	vpack.i.b32.b16 v55, v53;
	(pc) =	sbr.rel @p2 .LBB1_5-.Ltmp4, $4  }
0x6d: {  	v60 =	vunpack.i.l.s16.s32 v5;
	v1 =	vpack.i.b32.b16 v57, v56;
	v59 =	vunpack.i.l.s16.s32 v2;
	[tilespmem:s31+$0x0] =	vst v58  }
0x6e: {  	v62 =	vunpack.i.u.s16.s32 v5;
	v61 =	vunpack.i.u.s16.s32 v2;
	v3 =	vpack.i.b32.b16 v60, v59;
	[tilespmem:s30+$0x0] =	vst v1;
	s30 =	sadd.s32 s28, s29  }
0x6f: {  	s31 =	sadd.s32 s28, s24;
	v63 =	vpack.i.b32.b16 v62, v61;
	[tilespmem:s30+$0x0] =	vst v3  }
0x70: {  	p3 =	por $0x0, $0x0;
	s0 =	simm.s32 $0x2;
	[tilespmem:s31+$0x0] =	vst v63  }
.Ltmp5:
0x71: {  	(pc) =	sbr.rel @p1 .LBB1_4-.Ltmp5, $2  }
0x72: {  	_ =	sdelay $0x2  }
0x73: {  	s0 =	simm.s32 $0x2;
	p2 =	por $0x0, $0x0  }
.Ltmp6:
0x74: {  	(pc) =	sbr.rel @p0 .LBB1_3-.Ltmp6, $2  }
0x75: {  	_ =	sdelay $0x2  }
0x76: {  	s0 =	simm.s32 $0x8000;
	p1 =	por $0x0, $0x0  }
0x77: {  	s0 =	rddreg [dreg:$0xe]  }
0x78: {  	s1 =	rddreg [dreg:$0xd]  }
0x79: {  	s2 =	rddreg [dreg:$0x9]  }
0x7a: {  	s30 =	rddreg [dreg:$0xc]  }
0x7b: {  	s6 =	rddreg [dreg:$0x6];
	s0 =	smul.u32 $0x15000, s0  }
.Ltmp7:
0x7c: {  	s31 =	simm.s32 $0x0;
	s7 =	rddreg [dreg:$0x7];
	(pc) =	sbr.rel .LBB1_11-.Ltmp7, $4  }
0x7d: {  	s8 =	rddreg [dreg:$0x8];
	s1 =	sshll.u32 s1, $0xA;
	s0 =	sadd.s32 s2, s0  }
0x7e: {  	s9 =	rddreg [dreg:$0xa];
	s2 =	sshll.u32 s30, $0xC;
	s0 =	sadd.s32 s1, s0  }
0x7f: {  	s5 =	stileid.u32;
	s13 =	rddreg [dreg:$0xb];
	s0 =	sadd.s32 s2, s0  }
0x80: {  	[hbm4b:s0+s31] =	stream.linear.scatter [tilespmem:s16], [sflag:$0x2], $0x4000, $0x38;
	[tilespmem:$0x10000] =	vst v63  }
.LBB1_12:
0x81: {  	_ =	sfence.sel $0x180000  }
0x82: {  	s0 =	simm.s32 $0x1;
	[bflag:$0x0] =	sbarrier.arrive $0xFFFF  }
0x83: {  	s31 =	simm.s32 $0x2;
	[sflag:s0] =	ssyncpa.u1 $0x1  }
0x84: {  	[sflag:s31] =	ssyncpa.u1 $0x1  }
0x85: {  	_ =	strace $0x90000047  }
0x86: {  	[bflag:$0x2] =	sbarrier.arrive $0xFFFF  }
0x87: {  	p0 =	sne.s32 s5, $0x0;
	s0 =	rddreg [dreg:$0x1]  }
0x88: {  	s0 =	sadd.s32 @!p0 $0x100000, s0  }
0x89: {  	[sflag:s0] =	ssyncadd.tile.s32 @!p0 $0x1;
	_ =	shalt  }
.Lfunc_end1:
_tile_overlayer_lowered:
.L_overlay_start_2:
0x8a: {  	(tag) =	ssettag $0x2  }
0x8b: {  	s0 =	rddreg [dreg:$0x0];
	s2 =	stileid.u32  }
0x8c: {  	s1 =	rddreg [dreg:$0x1];
	p0 =	sne.s32 s2, $0x0  }
0x8d: {  	s3 =	rddreg [dreg:$0x2];
	[bflag:$0x3] =	sbarrier.arrive $0xFFFF;
	s2 =	simm.s32 @!p0 $0x1C01  }
0x8e: {  	[timem:s3], [sflag:s2] =	dma.local @!p0 [hbm:s0], s1  }
0x8f: {  	s0 =	simm.s32 @!p0 $0x1  }
0x90: {  	_ =	swait.ge @!p0 [sflag:s0], s1  }
0x91: {  	s1 =	ssub.s32 @!p0 $0x0, s1;
	[sflag:s0] =	ssyncset.done @!p0 $0x0  }
0x92: {  	[sflag:s0] =	ssyncadd.s32 @!p0 s1  }
0x93: {  	[bflag:$0x3] =	sbarrier.arrive $0xFFFF  }
0x94: {  	_ =	shalt  }

// kernel: sparse-core-data-format-call.cloned.1.call-start
scs
called_computation_lowered:
.L_overlay_start_0:
0x0: {  	s1 =	sld [smem:$0x3FD9]  }
0x1: {  	s2 =	sld [smem:$0x3FFE];
	_ =	sdelay $0x1  }
0x2: {  	s3 =	srdreg.scid  }
0x3: {  	s0 =	sand.u32 $0x1, s3  }
0x4: {  	s17 =	sshll.u32 s0, $0xA;
	s1 =	sadd.s32 s2, s1  }
0x5: {  	s1 =	sadd.s32 s1, s17  }
0x6: {  	[smem:$0x3FB4] =	sst s1  }
0x7: {  	_ = 	snop  }
0x8: {  	(tm) =	ssettm $0x1  }
0x9: {  	s18 =	sld [smem:$0x3FFB];
	_ =	sdelay $0x3  }
0xa: {  	_ =	strace s18  }
0xb: {  	s1 =	sld [smem:$0x3FFC];
	_ =	sdelay $0x3  }
0xc: {  	_ =	strace s1  }
0xd: {  	s1 =	sld [smem:$0x3FFD];
	_ =	sdelay $0x3  }
0xe: {  	_ =	strace s1  }
0xf: {  	_ =	strace $0x8FFFFFFF  }
0x10: {  	s19 =	sld [smem:$0x3FDB];
	_ =	sdelay $0x1  }
0x11: {  	s20 =	simm.s32 $_scs_section_size  }
0x12: {  	s4 =	simm.s32 $_size__tile_overlayer_lowered;
	s5 =	simm.s32 $_tile_overlayer_lowered  }
0x13: {  	s23 =	simm.s32 $0x1BFF;
	s22 =	sshll.u32 s5, $0x1;
	s1 =	sadd.s32 s20, s19  }
0x14: {  	s6 =	simm.s32 $0x0;
	s21 =	sshll.u32 s4, $0x1;
	s4 =	sadd.s32 s22, s1  }
0x15: {  	[timem:s6], [sflag:s23] =	dma.local [hbm:s4], s21  }
0x16: {  	_ =	swait.ge [sflag:s23], s21  }
0x17: {  	s2 =	ssub.s32 $0x0, s21;
	[sflag:s23] =	ssyncset.done $0x0  }
0x18: {  	[sflag:s23] =	ssyncadd.s32 s2;
	_ =	sdelay $0x1  }
0x19: {  	s24 =	simm.s32 $0x1B8B  }
0x1a: {  	_ =	swait.ge [sflag:s24], $0x1  }
0x1b: {  	[sflag:s24] =	ssyncset.done $0x0  }
0x1c: {  	s26 =	simm.s32 $0x1B8E;
	s25 =	sld [smem:$0x3FFE];
	[sflag:s24] =	ssyncadd.s32 $0xFFFFFFFF  }
0x1d: {  	s27 =	simm.s32 $execute0_lowered;
	[smem:$0x3FD2] =	sst s26  }
0x1e: {  	s4 =	sshll.u32 s27, $0x1;
	_ =	strace $0x80000049;
	[dreg:$0x1] =	wrdreg $0xFFFFFFFF  }
0x1f: {  	s28 =	simm.s32 $_size_execute0_lowered;
	s1 =	sadd.s32 s1, s4;
	[dreg:$0x0] =	wrdreg $0x0  }
0x20: {  	s4 =	sshll.u32 s28, $0x1;
	[dreg:$0x2] =	wrdreg s1  }
0x21: {  	[dreg:$0x3] =	wrdreg s4  }
0x22: {  	[dreg:$0x4] =	wrdreg $0xC0  }
0x23: {  	_ =	task [dreg:s6], $0x5FFFF  }
0x24: {  	[dreg:$0x1] =	wrdreg $0xFFFFFFFF  }
0x25: {  	[dreg:$0x0] =	wrdreg $0x60  }
0x26: {  	[dreg:$0x2] =	wrdreg s25  }
0x27: {  	[dreg:$0x3] =	wrdreg $0x9  }
0x28: {  	_ =	task.clear_ibuf [dreg:s6], $0x4FFFF;
	_ =	strace $0x90000049  }
0x29: {  	s29 =	simm.s32 $0x9;
	_ =	strace $0x8000004B  }
0x2a: {  	_ =	swait.ge [sflag:s29], $0x1  }
0x2b: {  	[sflag:s29] =	ssyncadd.s32 $0xFFFFFFFF  }
0x2c: {  	_ =	strace $0x9000004B  }
0x2d: {  	_ =	sfence  }
0x2e: {  	s30 =	sld [smem:$0x0];
	_ =	sdelay $0x2  }
0x2f: {  	s31 =	sshll.u32 s3, $0xD;
	s3 =	sshrl.u32 s3, $0x2  }
0x30: {  	s2 =	sand.u32 $0x4000, s31;
	s1 =	sadd.s32 s3, s30  }
0x31: {  	s0 =	sor.u32 s2, s0;
	s1 =	sshll.u32 s1, $0x11  }
0x32: {  	s0 =	sor.u32 s1, s0  }
0x33: {  	s0 =	sadd.s32 $0x8F2B, s0  }
0x34: {  	[sflag:s0] =	ssyncadd.remote.s32 $0x1  }
0x35: {  	_ =	sfence.sel $0xFFFF  }
0x36: {  	[dreg:$0x0] =	wrdreg $0xFFFFFFFF;
	(pc) =	sbr.abs _section_cstart, $3  }
0x37: {  	[dreg:$0x1] =	wrdreg $0xFFFFFFFF  }
0x38: {  	_ =	task.clear_ibuf [dreg:s6], $0x2FFFF;
	_ =	strace $0x9FFFFFFF  }
0x39: {  	(tm) =	ssettm $0x7FFFFFFF  }
tec
execute0_lowered:
.L_overlay_start_1:
0x0: {  	(tag) =	ssettag $0x1  }
0x1: {  	s0 =	stileid.u32  }
0x2: {  	s1 =	srdreg.scid;
	s7 =	rddreg [dreg:$0x0];
	s8 =	simm.s32 $0x2  }
0x3: {  	s2 =	sshll.u32 s0, $0x1;
	s3 =	sshll.u32 s0, $0x4;
	s4 =	sshll.u32 s1, $0x8  }
0x4: {  	s16 =	simm.s32 $0x0;
	s1 =	sand.u32 $0xE, s2;
	s28 =	sor.u32 s3, s4  }
0x5: {  	s9 =	simm.s32 $0x6000;
	s2 =	sand.u32 $0x180, s28;
	s29 =	ssub.s32 $0x10, s1  }
0x6: {  	s15 =	simm.s32 $0x0;
	s30 =	sand.u32 $0xE, s29;
	s5 =	ssub.s32 $0x400, s2  }
0x7: {  	s4 =	simm.s32 $0x1;
	p0 =	sne.s32 s30, $0x0;
	s6 =	sand.u32 $0x180, s5  }
0x8: {  	s4 =	simm.s32 @!p0 $0x0;
	p0 =	sne.s32 s6, $0x0;
	s6 =	simm.s32 $0x1  }
0x9: {  	s3 =	sshrl.u32 s29, $0x4;
	s5 =	sshrl.u32 s5, $0x9;
	s6 =	simm.s32 @!p0 $0x0  }
0xa: {  	s18 =	simm.s32 $0x0;
	s3 =	sadd.s32 s4, s3;
	s31 =	sadd.s32 s6, s5  }
0xb: {  	s17 =	simm.s32 $0x0;
	s11 =	simm.s32 $0x0;
	s5 =	smul.u32 s31, s3  }
.Ltmp0:
0xc: {  	s13 =	simm.s32 $0x0;
	s14 =	simm.s32 $0x0;
	(pc) =	sbr.rel .LBB1_1-.Ltmp0, $4  }
0xd: {  	s12 =	smov.u32 s1;
	s10 =	smov.u32 s2;
	s4 =	simm.s32 $0x1  }
0xe: {  	s3 =	rddreg [dreg:$0x1];
	_ =	strace $0x8000004A;
	s5 =	smul.u32 $0x18, s5  }
0xf: {  	p0 =	por $0x0, $0x0;
	s6 =	sadd.s32 $0x35F200, s7;
	[sflag:s4] =	ssyncpa.u1 $0x0  }
0x10: {  	s7 =	sadd.s32 $0x2200, s7;
	[sflag:s8] =	ssyncpa.u1 $0x0;
	s8 =	sor.u32 $0x1, s5  }
.LBB1_4:
0x11: {  	[tilespmem:s19+$0x1830 ss:$0x81] =	vst.msk $0xffff, v13;
	v7 =	vpack.i.b32.b16 v9, v7  }
0x12: {  	v49 =	vpack.i.b32.b16 v12, v10;
	[tilespmem:s19+$0x1831 ss:$0x81] =	vst.msk $0xffff, v7  }
0x13: {  	s18 =	sshll.u32 s18, $0x7;
	s22 =	sshll.u32 s15, $0x3;
	v50 =	vunpack.i.l.s16.s32 v4;
	v51 =	vunpack.i.l.s16.s32 v6;
	v52 =	vpack.i.b32.b16 v11, v8;
	s27 =	sshll.u32 s15, $0x1;
	[tilespmem:s19+$0x2040 ss:$0x81] =	vst.msk $0xffff, v49  }
0x14: {  	v56 =	vunpack.i.l.s16.s32 v5;
	s16 =	smul.u32 $0xC00, s16;
	s23 =	sand.u32 $0x400, s18;
	s22 =	sand.u32 $0x400, s22;
	v55 =	vpack.i.b32.b16 v51, v50;
	[tilespmem:s19+$0x2041 ss:$0x81] =	vst.msk $0xffff, v52  }
0x15: {  	s17 =	sshll.u32 s17, $0x7;
	v58 =	vunpack.i.l.s16.s32 v2;
	v59 =	vunpack.i.l.s16.s32 v3;
	s18 =	sand.u32 $0x300, s18;
	v1 =	vpack.i.b32.b16 v1, v56;
	s22 =	sadd.s32 s23, s22;
	[tilespmem:s19+$0x2850 ss:$0x81] =	vst.msk $0xffff, v55  }
0x16: {  	v53 =	vunpack.i.u.s16.s32 v4;
	v54 =	vunpack.i.u.s16.s32 v6;
	s29 =	sshrl.u32 s15, $0x3;
	s28 =	sand.u32 $0x80, s27;
	v62 =	vpack.i.b32.b16 v59, v58;
	[tilespmem:s19+$0x0 ss:$0x81] =	vst.msk $0xffff, v1;
	s18 =	sor.u32 s18, s22  }
0x17: {  	v57 =	vunpack.i.u.s16.s32 v5;
	s30 =	sand.u32 $0x7, s15;
	v4 =	vpack.i.b32.b16 v54, v53;
	s17 =	sadd.s32 s7, s17;
	[tilespmem:s21+$0x3060 ss:$0x81] =	vst.msk $0xffff, v62;
	s18 =	sor.u32 s28, s18  }
0x18: {  	v60 =	vunpack.i.u.s16.s32 v2;
	v61 =	vunpack.i.u.s16.s32 v3;
	v0 =	vpack.i.b32.b16 v0, v57;
	s16 =	sadd.s32 s16, s17;
	[tilespmem:s19+$0x2851 ss:$0x81] =	vst.msk $0xffff, v4;
	s19 =	sand.u32 $0x7, s29;
	s18 =	sshrl.u32 s18, $0x4  }
0x19: {  	v63 =	vpack.i.b32.b16 v61, v60;
	s15 =	sshll.u32 s30, $0x12;
	[tilespmem:s21+$0x1 ss:$0x81] =	vst.msk $0xffff, v0;
	s16 =	sadd.s32 s19, s16;
	s31 =	sand.u32 $0x78, s18  }
0x1a: {  	s15 =	sor.u32 $0x80, s15;
	[tilespmem:s21+$0x3061 ss:$0x81] =	vst.msk $0xffff, v63;
	s16 =	sadd.s32 s31, s16  }
0x1b: {  	[hbm4b:s16+s15] =	stream.strided.scatter [tilespmem:s20], [sflag:$0x2], $0x4000, s9, s15, $0x20;
	[tilespmem:$0x10100] =	vst v63  }
.LBB1_5:
0x1c: {  	s19 =	sadd.s32 $0x200, s10  }
0x1d: {  	s15 =	sadd.s32 $0x80, s11;
	s20 =	smov.u32 s11;
	p2 =	sgt.s32 s19, $0x3FF  }
0x1e: {  	s20 =	smov.u32 @p2 s15  }
0x1f: {  	s21 =	smov.u32 s12;
	s15 =	sadd.s32 $0x10, s12;
	p3 =	sgt.s32 s20, $0x7F  }
0x20: {  	s21 =	smov.u32 @p3 s15  }
0x21: {  	s15 =	simm.s32 $0x1;
	p4 =	sgt.s32 s21, $0xF  }
0x22: {  	s15 =	simm.s32 @!p4 $0x0  }
0x23: {  	p1 =	slt.u32 s14, $0x2;
	s23 =	sadd.s32 s15, s13  }
0x24: {  	s16 =	smov.u32 s10;
	s19 =	smov.u32 @p2 s2;
	p2 =	sgt.s32 s23, $0x17  }
0x25: {  	s22 =	simm.s32 @!p1 $0x2;
	s23 =	simm.s32 @p2 $0x0;
	p2 =	sne.s32 s14, s8  }
.Ltmp1:
0x26: {  	s18 =	smov.u32 s12;
	_ =	swait.ge @!p1 [sflag:s22], $0x4000;
	(pc) =	sbr.rel @!p2 .LBB1_6-.Ltmp1, $4  }
0x27: {  	s17 =	smov.u32 s13;
	p0 =	por !p0, !p0;
	[sflag:s22] =	ssyncset.done @!p1 $0x0  }
0x28: {  	s10 =	smov.u32 s19;
	s20 =	simm.s32 @p3 $0x0;
	[sflag:s22] =	ssyncadd.s32 @!p1 $0xFFFFC000  }
0x29: {  	s21 =	smov.u32 @p4 s1;
	s15 =	smov.u32 s11;
	s11 =	smov.u32 s20  }
0x2a: {  	s12 =	smov.u32 s21;
	s14 =	sadd.s32 $0x1, s14;
	s13 =	smov.u32 s23  }
.LBB1_1:
0x2b: {  	p1 =	sge.u32 s14, s5  }
0x2c: {  	s31 =	sadd.s32 $0xFFFFFFFF, s14;
	s19 =	sshll.u32 @!p1 s11, $0xA  }
0x2d: {  	s20 =	sxor.u32 @!p1 $0xFFFFFFFF, s14;
	s21 =	sshll.u32 @!p1 s10, $0x3;
	s19 =	sand.u32 @!p1 $0x1E000, s19  }
0x2e: {  	s22 =	sshll.u32 @!p1 s10, $0x1;
	s19 =	sadd.s32 @!p1 s19, s21;
	s21 =	sshll.u32 @!p1 s11, $0x7  }
0x2f: {  	s23 =	sshll.u32 @!p1 s13, $0x11;
	s22 =	sand.u32 @!p1 $0xF0, s22;
	s21 =	sand.u32 @!p1 $0x300, s21  }
0x30: {  	s23 =	sadd.s32 @!p1 s6, s23;
	s21 =	sor.u32 @!p1 s21, s22;
	s22 =	sshll.u32 @!p1 s12, $0xD  }
0x31: {  	s19 =	sshrl.u32 @!p1 s19, $0x4;
	s21 =	sshrl.u32 @!p1 s21, $0x4;
	s22 =	sadd.s32 @!p1 s22, s23  }
0x32: {  	s19 =	sand.u32 @!p1 $0x1FC0, s19;
	s21 =	sadd.s32 @!p1 s21, s22;
	s22 =	sand.u32 @!p1 $0x7, s10  }
0x33: {  	s20 =	sshll.u32 @!p1 s20, $0xE;
	s19 =	sadd.s32 @!p1 s19, s21;
	s21 =	sshll.u32 @!p1 s22, $0x12  }
0x34: {  	s20 =	sand.u32 @!p1 $0x4000, s20;
	s22 =	simm.s32 @!p1 $0x1000;
	s21 =	sor.u32 @!p1 $0x200, s21  }
0x35: {  	[tilespmem:s20], [sflag:$0x1] =	stream.strided.gather @!p1 [hbm4b:s19+s21], $0x4000, s22, s21, $0x38;
	[tilespmem:$0x10100] =	vst v63  }
0x36: {  	p1 =	sge.u32 s31, s5  }
.Ltmp2:
0x37: {  	_ = 	snop;
	(pc) =	sbr.rel @p1 .LBB1_5-.Ltmp2, $1  }
0x38: {  	_ =	sdelay $0x3  }
0x39: {  	s19 =	simm.s32 $0x1  }
0x3a: {  	_ =	swait.ge [sflag:s4], $0x4000;
	s19 =	simm.s32 @!p0 $0x0  }
0x3b: {  	[sflag:s4] =	ssyncset.done $0x0;
	s20 =	sshll.u32 s19, $0xE  }
0x3c: {  	[sflag:s4] =	ssyncadd.s32 $0xFFFFC000;
	s21 =	sor.u32 $0x2000, s20  }
0x3d: {  	v0 =	vld [tilespmem:s21+$0xFFFFE070]  }
0x3e: {  	v1 =	vld [tilespmem:s21+$0x70]  }
0x3f: {  	v2 =	vld [tilespmem:s21+$0x0]  }
0x40: {  	v3 =	vld [tilespmem:s21+$0xFFFFE010]  }
0x41: {  	v5 =	vld [tilespmem:s21+$0xFFFFE020]  }
0x42: {  	v4 =	vld [tilespmem:s21+$0x10]  }
0x43: {  	v6 =	vld [tilespmem:s21+$0x20]  }
0x44: {  	s19 =	smul.u32 $0x10200, s19;
	v9 =	vld [tilespmem:s21+$0xFFFFE030];
	v7 =	vunpack.i.l.s16.s32 v0;
	v8 =	vunpack.i.l.s16.s32 v1  }
0x45: {  	v10 =	vunpack.i.u.s16.s32 v0;
	v11 =	vunpack.i.u.s16.s32 v1;
	v0 =	vunpack.i.u.s16.s32 v2  }
0x46: {  	s19 =	sshrl.u32 s19, $0x2;
	v1 =	vunpack.i.l.s16.s32 v2;
	v2 =	vld [tilespmem:s21+$0x30];
	v13 =	vunpack.i.u.s16.s32 v5;
	v5 =	vunpack.i.l.s16.s32 v5  }
0x47: {  	v12 =	vld [tilespmem:s21+$0xFFFFE040];
	s19 =	sor.u32 $0x8000, s19;
	v7 =	vpack.i.b32.b16 v8, v7;
	v8 =	vpack.i.b32.b16 v11, v10;
	v10 =	vunpack.i.u.s16.s32 v3  }
0x48: {  	v14 =	vld [tilespmem:s21+$0x40];
	v3 =	vunpack.i.l.s16.s32 v3;
	v11 =	vunpack.i.u.s16.s32 v4;
	v4 =	vunpack.i.l.s16.s32 v4;
	[tilespmem:s19+$0x3870 ss:$0x81] =	vst.msk $0xffff, v7  }
0x49: {  	s31 =	sand.u32 $0x1, s14;
	v15 =	vunpack.i.l.s16.s32 v6;
	v3 =	vpack.i.b32.b16 v4, v3;
	v4 =	vld [tilespmem:s21+$0xFFFFE050];
	v7 =	vunpack.i.u.s16.s32 v9;
	[tilespmem:s19+$0x3871 ss:$0x81] =	vst.msk $0xffff, v8  }
0x4a: {  	s20 =	smul.u32 $0x10200, s31;
	v8 =	vunpack.i.u.s16.s32 v6;
	[tilespmem:s19+$0x810 ss:$0x81] =	vst.msk $0xffff, v3;
	v3 =	vpack.i.b32.b16 v11, v10;
	v11 =	vunpack.i.l.s16.s32 v9;
	v6 =	vld [tilespmem:s21+$0x50]  }
0x4b: {  	[tilespmem:s19+$0x811 ss:$0x81] =	vst.msk $0xffff, v3;
	v3 =	vpack.i.b32.b16 v15, v5;
	v9 =	vunpack.i.u.s16.s32 v2;
	v15 =	vunpack.i.l.s16.s32 v2;
	v2 =	vld [tilespmem:s21+$0xFFFFE060]  }
0x4c: {  	s22 =	simm.s32 $0x0;
	s20 =	sshrl.u32 s20, $0x2;
	v10 =	vunpack.i.l.s16.s32 v12;
	v13 =	vpack.i.b32.b16 v8, v13;
	v8 =	vunpack.i.u.s16.s32 v12;
	[tilespmem:s19+$0x1020 ss:$0x81] =	vst.msk $0xffff, v3;
	v3 =	vld [tilespmem:s21+$0x60]  }
0x4d: {  	s23 =	sadd.s32 $0x80, s21;
	s20 =	sor.u32 $0x8000, s20;
	v5 =	vld [tilespmem:s21+$0xFFFFE000];
	v12 =	vunpack.i.l.s16.s32 v14;
	s21 =	smov.u32 s19;
	[tilespmem:s19+$0x1021 ss:$0x81] =	vst.msk $0xffff, v13;
	v13 =	vpack.i.b32.b16 v15, v11;
	v11 =	vunpack.i.u.s16.s32 v14  }
.LBB1_3:
0x4e: {  	v14 =	vld [tilespmem:s23+$0xFFFFE070];
	[tilespmem:s19+$0x1830 ss:$0x81] =	vst.msk $0xffff, v13;
	v7 =	vpack.i.b32.b16 v9, v7;
	v9 =	vunpack.i.u.s16.s32 v4;
	v4 =	vunpack.i.l.s16.s32 v4  }
0x4f: {  	v13 =	vld [tilespmem:s23+$0x70];
	[tilespmem:s19+$0x1831 ss:$0x81] =	vst.msk $0xffff, v7;
	v7 =	vpack.i.b32.b16 v12, v10;
	v10 =	vunpack.i.u.s16.s32 v6;
	v6 =	vunpack.i.l.s16.s32 v6  }
0x50: {  	s22 =	sadd.s32 $0x2, s22;
	v12 =	vld [tilespmem:s23+$0x0];
	[tilespmem:s19+$0x2040 ss:$0x81] =	vst.msk $0xffff, v7;
	v7 =	vpack.i.b32.b16 v11, v8;
	v8 =	vunpack.i.u.s16.s32 v2;
	v2 =	vunpack.i.l.s16.s32 v2  }
0x51: {  	p1 =	slt.u32 s22, $0x7E;
	v4 =	vpack.i.b32.b16 v6, v4;
	v6 =	vunpack.i.u.s16.s32 v3;
	v3 =	vunpack.i.l.s16.s32 v3;
	v11 =	vld [tilespmem:s23+$0xFFFFE010];
	[tilespmem:s19+$0x2041 ss:$0x81] =	vst.msk $0xffff, v7  }
0x52: {  	v15 =	vunpack.i.u.s16.s32 v5;
	v5 =	vunpack.i.l.s16.s32 v5;
	v7 =	vld [tilespmem:s23+$0x10];
	[tilespmem:s19+$0x2850 ss:$0x81] =	vst.msk $0xffff, v4;
	v4 =	vpack.i.b32.b16 v10, v9  }
0x53: {  	v1 =	vpack.i.b32.b16 v1, v5;
	v0 =	vpack.i.b32.b16 v0, v15;
	v2 =	vpack.i.b32.b16 v3, v2;
	v9 =	vld [tilespmem:s23+$0xFFFFE020];
	[tilespmem:s19+$0x2851 ss:$0x81] =	vst.msk $0xffff, v4  }
0x54: {  	v6 =	vpack.i.b32.b16 v6, v8;
	v4 =	vunpack.i.l.s16.s32 v14;
	v3 =	vld [tilespmem:s23+$0x20];
	v5 =	vunpack.i.l.s16.s32 v13;
	[tilespmem:s19+$0x0 ss:$0x81] =	vst.msk $0xffff, v1  }
0x55: {  	v10 =	vunpack.i.u.s16.s32 v14;
	v13 =	vunpack.i.u.s16.s32 v13;
	s19 =	sadd.s32 $0x2, s19;
	v8 =	vld [tilespmem:s23+$0xFFFFE030];
	v4 =	vpack.i.b32.b16 v5, v4;
	[tilespmem:s21+$0x1 ss:$0x81] =	vst.msk $0xffff, v0  }
0x56: {  	v0 =	vunpack.i.u.s16.s32 v12;
	v1 =	vunpack.i.l.s16.s32 v12;
	v5 =	vld [tilespmem:s23+$0x30];
	[tilespmem:s19+$0x3870 ss:$0x81] =	vst.msk $0xffff, v4;
	v4 =	vpack.i.b32.b16 v13, v10  }
0x57: {  	v10 =	vunpack.i.u.s16.s32 v11;
	v11 =	vunpack.i.l.s16.s32 v11;
	v12 =	vunpack.i.u.s16.s32 v7;
	v13 =	vld [tilespmem:s23+$0xFFFFE040];
	[tilespmem:s19+$0x3871 ss:$0x81] =	vst.msk $0xffff, v4  }
0x58: {  	v4 =	vunpack.i.l.s16.s32 v7;
	v14 =	vunpack.i.u.s16.s32 v9;
	v9 =	vunpack.i.l.s16.s32 v9;
	v15 =	vld [tilespmem:s23+$0x40];
	[tilespmem:s21+$0x3060 ss:$0x81] =	vst.msk $0xffff, v2  }
.Ltmp3:
0x59: {  	v2 =	vpack.i.b32.b16 v4, v11;
	v11 =	vunpack.i.u.s16.s32 v3;
	v3 =	vunpack.i.l.s16.s32 v3;
	v4 =	vld [tilespmem:s23+$0xFFFFE050];
	[tilespmem:s21+$0x3061 ss:$0x81] =	vst.msk $0xffff, v6;
	s21 =	smov.u32 s19;
	(pc) =	sbr.rel @p1 .LBB1_3-.Ltmp3, $4  }
0x5a: {  	[tilespmem:s19+$0x810 ss:$0x81] =	vst.msk $0xffff, v2;
	v2 =	vpack.i.b32.b16 v12, v10;
	v7 =	vunpack.i.u.s16.s32 v8;
	v12 =	vunpack.i.l.s16.s32 v8;
	v6 =	vld [tilespmem:s23+$0x50]  }
0x5b: {  	v3 =	vpack.i.b32.b16 v3, v9;
	[tilespmem:s19+$0x811 ss:$0x81] =	vst.msk $0xffff, v2;
	v9 =	vunpack.i.u.s16.s32 v5;
	v16 =	vunpack.i.l.s16.s32 v5;
	v2 =	vld [tilespmem:s23+$0xFFFFE060]  }
0x5c: {  	v11 =	vpack.i.b32.b16 v11, v14;
	[tilespmem:s19+$0x1020 ss:$0x81] =	vst.msk $0xffff, v3;
	v8 =	vunpack.i.u.s16.s32 v13;
	v10 =	vunpack.i.l.s16.s32 v13;
	v3 =	vld [tilespmem:s23+$0x60]  }
0x5d: {  	v13 =	vpack.i.b32.b16 v16, v12;
	v5 =	vld [tilespmem:s23+$0xFFFFE000];
	[tilespmem:s19+$0x1021 ss:$0x81] =	vst.msk $0xffff, v11;
	v11 =	vunpack.i.u.s16.s32 v15;
	v12 =	vunpack.i.l.s16.s32 v15;
	s23 =	sadd.s32 $0x80, s23  }
.Ltmp4:
0x5e: {  	_ = 	snop;
	(pc) =	sbr.rel .LBB1_4-.Ltmp4, $1  }
0x5f: {  	_ =	sdelay $0x3  }
.LBB1_6:
0x60: {  	_ =	sfence.sel $0x180000  }
0x61: {  	s1 =	simm.s32 $0x1;
	[bflag:$0x0] =	sbarrier.arrive $0xFFFF  }
0x62: {  	s31 =	simm.s32 $0x2;
	[sflag:s1] =	ssyncpa.u1 $0x1  }
0x63: {  	[sflag:s31] =	ssyncpa.u1 $0x1  }
0x64: {  	p0 =	sne.s32 s0, $0x0;
	_ =	strace $0x9000004A  }
0x65: {  	s0 =	sadd.s32 @!p0 $0x100000, s3;
	[bflag:$0x2] =	sbarrier.arrive $0xFFFF  }
0x66: {  	[sflag:s0] =	ssyncadd.tile.s32 @!p0 $0x1;
	_ =	shalt  }
.Lfunc_end1:
_tile_overlayer_lowered:
.L_overlay_start_2:
0x67: {  	(tag) =	ssettag $0x2  }
0x68: {  	s0 =	rddreg [dreg:$0x0];
	s2 =	stileid.u32  }
0x69: {  	s1 =	rddreg [dreg:$0x1];
	p0 =	sne.s32 s2, $0x0  }
0x6a: {  	s3 =	rddreg [dreg:$0x2];
	[bflag:$0x3] =	sbarrier.arrive $0xFFFF;
	s2 =	simm.s32 @!p0 $0x1C01  }
0x6b: {  	[timem:s3], [sflag:s2] =	dma.local @!p0 [hbm:s0], s1  }
0x6c: {  	s0 =	simm.s32 @!p0 $0x1  }
0x6d: {  	_ =	swait.ge @!p0 [sflag:s0], s1  }
0x6e: {  	s1 =	ssub.s32 @!p0 $0x0, s1;
	[sflag:s0] =	ssyncset.done @!p0 $0x0  }
0x6f: {  	[sflag:s0] =	ssyncadd.s32 @!p0 s1  }
0x70: {  	[bflag:$0x3] =	sbarrier.arrive $0xFFFF  }
0x71: {  	_ =	shalt  }

</sc_bundles>
